<compile_context>
chip_gen: v7x
topology: tpu7x:2x2x1
jax: 0.10.2.dev20260603
libtpu: 0.0.44.dev20260713+nightly
codegen_flags: <defaults>
</compile_context>

<pallas_src>
import functools

import jax
import jax.numpy as jnp
from jax import lax
from jax.experimental import pallas as pl
from jax.experimental.pallas import tpu as pltpu
from jax.experimental.pallas import tpu_sc as plsc

_D = 64
_W = 2 * _D
_SCALE = 64 ** 0.5
_LANES = 16

_info = plsc.get_sparse_core_info()
_NC, _NS = _info.num_cores, _info.num_subcores
_NW = _NC * _NS


def _make_gather(n_batch: int, n_time: int, chunk_rows: int):
    n_idx = n_batch * n_time
    chunk = chunk_rows * n_time
    assert n_idx % (_NW * chunk) == 0
    per_w = n_idx // _NW
    rows_w = per_w // n_time
    n_chunks = per_w // chunk
    assert n_chunks % 2 == 0 and n_chunks >= 4
    mesh = plsc.VectorSubcoreMesh(core_axis_name="c", subcore_axis_name="s")

    @functools.partial(
        pl.kernel,
        mesh=mesh,
        out_type=jax.ShapeDtypeStruct((n_batch, n_time, _W), jnp.float32),
        scratch_types=[
            pltpu.VMEM((chunk,), jnp.int32),
            pltpu.VMEM((chunk,), jnp.int32),
            pltpu.VMEM((chunk,), jnp.int32),
            pltpu.VMEM((chunk,), jnp.int32),
            pltpu.VMEM((chunk, _D), jnp.float32),
            pltpu.VMEM((chunk, _D), jnp.float32),
            pltpu.SemaphoreType.DMA,
            pltpu.SemaphoreType.DMA,
            pltpu.SemaphoreType.DMA,
            pltpu.SemaphoreType.DMA,
            pltpu.SemaphoreType.DMA,
            pltpu.SemaphoreType.DMA,
        ],
        compiler_params=pltpu.CompilerParams(use_tc_tiling_on_sc=False),
    )
    def gather_kernel(idx_hbm, table_hbm, out_hbm,
                      i0, i1, q0, q1, r0, r1, is0, is1, gs0, gs1, ss0, ss1):
        ibuf, qbuf, rbuf = (i0, i1), (q0, q1), (r0, r1)
        isem, gsem, ssem = (is0, is1), (gs0, gs1), (ss0, ss1)
        wid = lax.axis_index("s") * _NC + lax.axis_index("c")
        base = wid * per_w

        def off(g):
            return base + g * chunk

        def idx_start(g, b):
            pltpu.async_copy(idx_hbm.at[pl.ds(off(g), chunk)], ibuf[b], isem[b])

        def idx_wait(b):
            pltpu.make_async_copy(
                idx_hbm.at[pl.ds(base, chunk)], ibuf[b], isem[b]).wait()

        def gather_start(b):
            def dbl(j, carry):
                sl = pl.ds(j * _LANES, _LANES)
                qbuf[b][sl] = ibuf[b][sl] * 2
                return carry

            lax.fori_loop(0, chunk // _LANES, dbl, 0)
            pltpu.async_copy(table_hbm.at[qbuf[b]], rbuf[b], gsem[b])

        def gather_wait(b):
            pltpu.make_async_copy(
                table_hbm.at[qbuf[b]], rbuf[b], gsem[b]).wait()

        def scatter_start(g, b):
            row0 = wid * rows_w + g * chunk_rows
            for k in range(chunk_rows):
                pltpu.async_copy(
                    rbuf[b].at[pl.ds(k * n_time, n_time)],
                    out_hbm.at[row0 + k, :, pl.ds(0, _D)], ssem[b])

        def scatter_wait(b):
            for _ in range(chunk_rows):
                pltpu.make_async_copy(
                    rbuf[b].at[pl.ds(0, n_time)],
                    out_hbm.at[0, :, pl.ds(0, _D)], ssem[b]).wait()

        def scale(b):
            rows = rbuf[b]

            @plsc.parallel_loop(0, chunk, 1, unroll=4)
            def _(r):
                for c in range(_D // _LANES):
                    sl = pl.ds(c * _LANES, _LANES)
                    rows[r, sl] = rows[r, sl] * _SCALE

        idx_start(0, 0)
        idx_start(1, 1)
        idx_wait(0)
        gather_start(0)

        def body(i, carry):
            for b in range(2):
                g = 2 * i + b
                nb = 1 - b

                @pl.when(g + 1 < n_chunks)
                def _():
                    idx_wait(nb)

                    @pl.when(g >= 1)
                    def _():
                        scatter_wait(nb)

                    gather_start(nb)

                gather_wait(b)

                @pl.when(g + 2 < n_chunks)
                def _():
                    idx_start(g + 2, b)

                scale(b)
                scatter_start(g, b)
            return carry

        lax.fori_loop(0, n_chunks // 2, body, 0)
        scatter_wait(0)
        scatter_wait(1)

    return gather_kernel


def kernel(inp_tokens, emb_table):
    n_batch, n_time = inp_tokens.shape
    idx = inp_tokens.reshape(-1).astype(jnp.int32)
    table_dup = jnp.pad(emb_table, ((0, 0), (0, _W - _D)))
    table_dup = table_dup.reshape(2 * emb_table.shape[0], _D)
    out128 = _make_gather(n_batch, n_time, 2)(idx, table_dup)
    return out128[:, :, :_D]

# --- scband reference (transcript-rebuilt; emitter-appended) ---
"""Pipeline reference for scband-token-embedding-64939905516271 (READ-ONLY COPY).

The authoritative reference and input builder live on the scoring server;
editing this copy changes nothing except your own understanding.
"""

import jax, jax.numpy as jnp
import numpy as np

N_TOKEN = 1000000
D_MODEL = 64

def setup_inputs(seed: int = 0) -> dict:
    key = jax.random.key(seed)
    k1, k2 = jax.random.split(key)
    inp_tokens = jax.random.randint(k1, (4096, 200), 0, N_TOKEN, dtype=jnp.int64 if jax.config.jax_enable_x64 else jnp.int32)
    emb_table = jax.random.normal(k2, (N_TOKEN, D_MODEL), dtype=jnp.float32) * 0.02
    return {"inp_tokens": inp_tokens, "emb_table": emb_table}

def reference(inp_tokens, emb_table):
    emb_scale = D_MODEL ** 0.5
    inp_emb = jnp.take(emb_table, inp_tokens, axis=0)
    return inp_emb * emb_scale

if __name__ == "__main__":
    import jax
    _d = setup_inputs()
    print(jax.jit(kernel)(*tuple(_d.values())))

</pallas_src>

<mosaic_0001>
#map = affine_map<(d0, d1) -> (0)>
#map1 = affine_map<(d0, d1) -> (0, 0)>
#map2 = affine_map<(d0, d1) -> (0, 0, 0)>
module attributes {stable_mosaic.version = 14 : i64} {
  func.func @gather_kernel(%arg0: i32, %arg1: i32, %arg2: memref<819200xi32, #tpu.memory_space<hbm>>, %arg3: memref<2000000x64xf32, #tpu.memory_space<hbm>>, %arg4: memref<4096x200x128xf32, #tpu.memory_space<hbm>>, %arg5: memref<400xi32, #tpu.memory_space<vmem>>, %arg6: memref<400xi32, #tpu.memory_space<vmem>>, %arg7: memref<400xi32, #tpu.memory_space<vmem>>, %arg8: memref<400xi32, #tpu.memory_space<vmem>>, %arg9: memref<400x64xf32, #tpu.memory_space<vmem>>, %arg10: memref<400x64xf32, #tpu.memory_space<vmem>>, %arg11: memref<!tpu.dma_semaphore, #tpu.memory_space<semaphore_mem>>, %arg12: memref<!tpu.dma_semaphore, #tpu.memory_space<semaphore_mem>>, %arg13: memref<!tpu.dma_semaphore, #tpu.memory_space<semaphore_mem>>, %arg14: memref<!tpu.dma_semaphore, #tpu.memory_space<semaphore_mem>>, %arg15: memref<!tpu.dma_semaphore, #tpu.memory_space<semaphore_mem>>, %arg16: memref<!tpu.dma_semaphore, #tpu.memory_space<semaphore_mem>>) attributes {dimension_semantics = [#tpu.dimension_semantics<core_parallel>, #tpu.dimension_semantics<subcore_parallel>], iteration_bounds = array<i64: 2, 16>, scalar_prefetch = 0 : i64, scratch_operands = 12 : i64, tpu.core_type = #tpu.core_type<sc_vector_subcore>, window_params = [{transform_indices = #map}, {transform_indices = #map1}, {transform_indices = #map2}]} {
    %mul3A = arith.constant 2 : i32
    %mul3A_0 = arith.muli %arg1, %mul3A : i32
    %add3A = arith.addi %mul3A_0, %arg0 : i32
    %mul3A_1 = arith.constant 25600 : i32
    %mul3A_2 = arith.muli %add3A, %mul3A_1 : i32
    %add3A_3 = arith.constant 0 : i32
    %add3A_4 = arith.addi %mul3A_2, %add3A_3 : i32
    %dma_start3A = tpu.memref_slice %arg2[%add3A_4] : memref<819200xi32, #tpu.memory_space<hbm>> -> memref<400xi32, #tpu.memory_space<hbm>>
    %dma_start3A_5 = tpu.memref_slice %arg2[%add3A_4] : memref<819200xi32, #tpu.memory_space<hbm>> -> memref<400xi32, #tpu.memory_space<hbm>>
    tpu.enqueue_dma source(%dma_start3A_5 : memref<400xi32, #tpu.memory_space<hbm>>) target(%arg5 : memref<400xi32, #tpu.memory_space<vmem>>) target_semaphore(%arg11 : memref<!tpu.dma_semaphore, #tpu.memory_space<semaphore_mem>>)
    %add3A_6 = arith.constant 400 : i32
    %add3A_7 = arith.addi %mul3A_2, %add3A_6 : i32
    %dma_start3A_8 = tpu.memref_slice %arg2[%add3A_7] : memref<819200xi32, #tpu.memory_space<hbm>> -> memref<400xi32, #tpu.memory_space<hbm>>
    %dma_start3A_9 = tpu.memref_slice %arg2[%add3A_7] : memref<819200xi32, #tpu.memory_space<hbm>> -> memref<400xi32, #tpu.memory_space<hbm>>
    tpu.enqueue_dma source(%dma_start3A_9 : memref<400xi32, #tpu.memory_space<hbm>>) target(%arg6 : memref<400xi32, #tpu.memory_space<vmem>>) target_semaphore(%arg12 : memref<!tpu.dma_semaphore, #tpu.memory_space<semaphore_mem>>)
    %dma_wait3A = tpu.memref_slice %arg2[%mul3A_2] : memref<819200xi32, #tpu.memory_space<hbm>> -> memref<400xi32, #tpu.memory_space<hbm>>
    %dma_wait3A_10 = tpu.memref_slice %arg2[%mul3A_2] : memref<819200xi32, #tpu.memory_space<hbm>> -> memref<400xi32, #tpu.memory_space<hbm>>
    tpu.wait_dma2 semaphore(%arg11 : memref<!tpu.dma_semaphore, #tpu.memory_space<semaphore_mem>>) src(%dma_wait3A_10 : memref<400xi32, #tpu.memory_space<hbm>>) dst(%arg5 : memref<400xi32, #tpu.memory_space<vmem>>)
    %scan3A = arith.constant 0 : i32
    %scan3A_11 = arith.constant 0 : i32
    %scan3A_12 = arith.constant 25 : i32
    %scan3A_13 = arith.addi %scan3A_11, %scan3A_12 : i32
    %scan3A_14 = arith.constant 1 : i32
    scf.for %scan3A_85 = %scan3A_11 to %scan3A_13 step %scan3A_14  : i32 {
      %mul3A_86 = arith.constant 16 : i32
      %mul3A_87 = arith.muli %scan3A_85, %mul3A_86 : i32
      %get3A = arith.index_cast %mul3A_87 : i32 to index
      %get3A_88 = tpu.vector_load %arg5[%get3A] {strides = array<i32>} : memref<400xi32, #tpu.memory_space<vmem>>, vector<16xi32>,
      %get3A_89 = vector.shape_cast %get3A_88 : vector<16xi32> to vector<16xi32>
      %mul3A_90 = arith.constant 2 : i32
      %mul3A_91 = vector.broadcast %mul3A_90 : i32 to vector<16xi32>
      %mul3A_92 = arith.muli %get3A_89, %mul3A_91 : vector<16xi32>
      %swap3A = arith.index_cast %mul3A_87 : i32 to index
      %swap3A_93 = tpu.vector_load %arg7[%swap3A] {strides = array<i32>} : memref<400xi32, #tpu.memory_space<vmem>>, vector<16xi32>,
      %swap3A_94 = vector.shape_cast %swap3A_93 : vector<16xi32> to vector<16xi32>
      %swap3A_95 = vector.shape_cast %mul3A_92 : vector<16xi32> to vector<16xi32>
      tpu.vector_store %arg7[%swap3A], %swap3A_95 {strides = array<i32>} : memref<400xi32, #tpu.memory_space<vmem>>, vector<16xi32>,
    }
    %scan3A_15 = arith.constant 25 : i32
    %dma_start3A_16 = arith.constant 0 : i32
    %dma_start3A_17 = arith.constant 0 : i32
    %dma_start3A_18 = tpu.memref_slice %arg3[%dma_start3A_16, %dma_start3A_17] : memref<2000000x64xf32, #tpu.memory_space<hbm>> -> memref<2000000x64xf32, #tpu.memory_space<hbm>>
    tpu.enqueue_indirect_dma source(%dma_start3A_18 : memref<2000000x64xf32, #tpu.memory_space<hbm>>) target(%arg9 : memref<400x64xf32, #tpu.memory_space<vmem>>) offsets(%arg7 : memref<400xi32, #tpu.memory_space<vmem>>) semaphore(%arg13 : memref<!tpu.dma_semaphore, #tpu.memory_space<semaphore_mem>>)
    %scan3A_19 = arith.constant 0 : i32
    %scan3A_20 = arith.constant 0 : i32
    %scan3A_21 = arith.constant 32 : i32
    %scan3A_22 = arith.addi %scan3A_20, %scan3A_21 : i32
    %scan3A_23 = arith.constant 1 : i32
    scf.for %scan3A_85 = %scan3A_20 to %scan3A_22 step %scan3A_23  : i32 {
      %mul3A_86 = arith.constant 2 : i32
      %mul3A_87 = arith.muli %mul3A_86, %scan3A_85 : i32
      %add3A_88 = arith.constant 0 : i32
      %add3A_89 = arith.addi %mul3A_87, %add3A_88 : i32
      %add3A_90 = arith.constant 1 : i32
      %add3A_91 = arith.addi %add3A_89, %add3A_90 : i32
      %lt3A = arith.constant 64 : i32
      %lt3A_92 = arith.cmpi slt, %add3A_91, %lt3A : i32
      %convert_element_type3A = arith.extui %lt3A_92 : i1 to i32
      %cond3A = arith.constant 0 : i32
      %cond3A_93 = arith.cmpi ne, %convert_element_type3A, %cond3A : i32
      scf.if %cond3A_93 {
        %dma_wait3A_204 = tpu.memref_slice %arg2[%mul3A_2] : memref<819200xi32, #tpu.memory_space<hbm>> -> memref<400xi32, #tpu.memory_space<hbm>>
        %dma_wait3A_205 = tpu.memref_slice %arg2[%mul3A_2] : memref<819200xi32, #tpu.memory_space<hbm>> -> memref<400xi32, #tpu.memory_space<hbm>>
        tpu.wait_dma2 semaphore(%arg12 : memref<!tpu.dma_semaphore, #tpu.memory_space<semaphore_mem>>) src(%dma_wait3A_205 : memref<400xi32, #tpu.memory_space<hbm>>) dst(%arg6 : memref<400xi32, #tpu.memory_space<vmem>>)
        %ge3A = arith.constant 1 : i32
        %ge3A_206 = arith.cmpi sge, %add3A_89, %ge3A : i32
        %convert_element_type3A_207 = arith.extui %ge3A_206 : i1 to i32
        %cond3A_208 = arith.constant 0 : i32
        %cond3A_209 = arith.cmpi ne, %convert_element_type3A_207, %cond3A_208 : i32
        scf.if %cond3A_209 {
          %dma_wait3A_219 = arith.constant 0 : i32
          %dma_wait3A_220 = arith.constant 0 : i32
          %dma_wait3A_221 = arith.constant 0 : i32
          %dma_wait3A_222 = tpu.memref_slice %arg10[%dma_wait3A_220, %dma_wait3A_221] : memref<400x64xf32, #tpu.memory_space<vmem>> -> memref<200x64xf32, #tpu.memory_space<vmem>>
          %dma_wait3A_223 = arith.constant 0 : i32
          %dma_wait3A_224 = arith.constant 0 : i32
          %dma_wait3A_225 = tpu.memref_slice %arg4[%dma_wait3A_219, %dma_wait3A_223, %dma_wait3A_224] : memref<4096x200x128xf32, #tpu.memory_space<hbm>> -> memref<1x200x64xf32, #tpu.memory_space<hbm>>
          %dma_wait3A_226 = tpu.memref_squeeze %dma_wait3A_225 : memref<1x200x64xf32, #tpu.memory_space<hbm>> -> memref<200x64xf32, #tpu.memory_space<hbm>>
          %dma_wait3A_227 = arith.constant 0 : i32
          %dma_wait3A_228 = arith.constant 0 : i32
          %dma_wait3A_229 = tpu.memref_slice %arg4[%dma_wait3A_219, %dma_wait3A_227, %dma_wait3A_228] : memref<4096x200x128xf32, #tpu.memory_space<hbm>> -> memref<1x200x64xf32, #tpu.memory_space<hbm>>
          %dma_wait3A_230 = tpu.memref_squeeze %dma_wait3A_229 : memref<1x200x64xf32, #tpu.memory_space<hbm>> -> memref<200x64xf32, #tpu.memory_space<hbm>>
          %dma_wait3A_231 = arith.constant 0 : i32
          %dma_wait3A_232 = arith.constant 0 : i32
          %dma_wait3A_233 = tpu.memref_slice %arg10[%dma_wait3A_231, %dma_wait3A_232] : memref<400x64xf32, #tpu.memory_space<vmem>> -> memref<200x64xf32, #tpu.memory_space<vmem>>
          tpu.wait_dma2 semaphore(%arg16 : memref<!tpu.dma_semaphore, #tpu.memory_space<semaphore_mem>>) src(%dma_wait3A_233 : memref<200x64xf32, #tpu.memory_space<vmem>>) dst(%dma_wait3A_230 : memref<200x64xf32, #tpu.memory_space<hbm>>)
          %dma_wait3A_234 = arith.constant 0 : i32
          %dma_wait3A_235 = arith.constant 0 : i32
          %dma_wait3A_236 = arith.constant 0 : i32
          %dma_wait3A_237 = tpu.memref_slice %arg10[%dma_wait3A_235, %dma_wait3A_236] : memref<400x64xf32, #tpu.memory_space<vmem>> -> memref<200x64xf32, #tpu.memory_space<vmem>>
          %dma_wait3A_238 = arith.constant 0 : i32
          %dma_wait3A_239 = arith.constant 0 : i32
          %dma_wait3A_240 = tpu.memref_slice %arg4[%dma_wait3A_234, %dma_wait3A_238, %dma_wait3A_239] : memref<4096x200x128xf32, #tpu.memory_space<hbm>> -> memref<1x200x64xf32, #tpu.memory_space<hbm>>
          %dma_wait3A_241 = tpu.memref_squeeze %dma_wait3A_240 : memref<1x200x64xf32, #tpu.memory_space<hbm>> -> memref<200x64xf32, #tpu.memory_space<hbm>>
          %dma_wait3A_242 = arith.constant 0 : i32
          %dma_wait3A_243 = arith.constant 0 : i32
          %dma_wait3A_244 = tpu.memref_slice %arg4[%dma_wait3A_234, %dma_wait3A_242, %dma_wait3A_243] : memref<4096x200x128xf32, #tpu.memory_space<hbm>> -> memref<1x200x64xf32, #tpu.memory_space<hbm>>
          %dma_wait3A_245 = tpu.memref_squeeze %dma_wait3A_244 : memref<1x200x64xf32, #tpu.memory_space<hbm>> -> memref<200x64xf32, #tpu.memory_space<hbm>>
          %dma_wait3A_246 = arith.constant 0 : i32
          %dma_wait3A_247 = arith.constant 0 : i32
          %dma_wait3A_248 = tpu.memref_slice %arg10[%dma_wait3A_246, %dma_wait3A_247] : memref<400x64xf32, #tpu.memory_space<vmem>> -> memref<200x64xf32, #tpu.memory_space<vmem>>
          tpu.wait_dma2 semaphore(%arg16 : memref<!tpu.dma_semaphore, #tpu.memory_space<semaphore_mem>>) src(%dma_wait3A_248 : memref<200x64xf32, #tpu.memory_space<vmem>>) dst(%dma_wait3A_245 : memref<200x64xf32, #tpu.memory_space<hbm>>)
        } else {
        }
        %scan3A_210 = arith.constant 0 : i32
        %scan3A_211 = arith.constant 0 : i32
        %scan3A_212 = arith.constant 25 : i32
        %scan3A_213 = arith.addi %scan3A_211, %scan3A_212 : i32
        %scan3A_214 = arith.constant 1 : i32
        scf.for %scan3A_219 = %scan3A_211 to %scan3A_213 step %scan3A_214  : i32 {
          %mul3A_220 = arith.constant 16 : i32
          %mul3A_221 = arith.muli %scan3A_219, %mul3A_220 : i32
          %get3A = arith.index_cast %mul3A_221 : i32 to index
          %get3A_222 = tpu.vector_load %arg6[%get3A] {strides = array<i32>} : memref<400xi32, #tpu.memory_space<vmem>>, vector<16xi32>,
          %get3A_223 = vector.shape_cast %get3A_222 : vector<16xi32> to vector<16xi32>
          %mul3A_224 = arith.constant 2 : i32
          %mul3A_225 = vector.broadcast %mul3A_224 : i32 to vector<16xi32>
          %mul3A_226 = arith.muli %get3A_223, %mul3A_225 : vector<16xi32>
          %swap3A = arith.index_cast %mul3A_221 : i32 to index
          %swap3A_227 = tpu.vector_load %arg8[%swap3A] {strides = array<i32>} : memref<400xi32, #tpu.memory_space<vmem>>, vector<16xi32>,
          %swap3A_228 = vector.shape_cast %swap3A_227 : vector<16xi32> to vector<16xi32>
          %swap3A_229 = vector.shape_cast %mul3A_226 : vector<16xi32> to vector<16xi32>
          tpu.vector_store %arg8[%swap3A], %swap3A_229 {strides = array<i32>} : memref<400xi32, #tpu.memory_space<vmem>>, vector<16xi32>,
        }
        %scan3A_215 = arith.constant 25 : i32
        %dma_start3A_216 = arith.constant 0 : i32
        %dma_start3A_217 = arith.constant 0 : i32
        %dma_start3A_218 = tpu.memref_slice %arg3[%dma_start3A_216, %dma_start3A_217] : memref<2000000x64xf32, #tpu.memory_space<hbm>> -> memref<2000000x64xf32, #tpu.memory_space<hbm>>
        tpu.enqueue_indirect_dma source(%dma_start3A_218 : memref<2000000x64xf32, #tpu.memory_space<hbm>>) target(%arg10 : memref<400x64xf32, #tpu.memory_space<vmem>>) offsets(%arg8 : memref<400xi32, #tpu.memory_space<vmem>>) semaphore(%arg14 : memref<!tpu.dma_semaphore, #tpu.memory_space<semaphore_mem>>)
      } else {
      }
      %dma_wait3A_94 = arith.constant 0 : i32
      %dma_wait3A_95 = arith.constant 0 : i32
      %dma_wait3A_96 = tpu.memref_slice %arg3[%dma_wait3A_94, %dma_wait3A_95] : memref<2000000x64xf32, #tpu.memory_space<hbm>> -> memref<2000000x64xf32, #tpu.memory_space<hbm>>
      tpu.wait_indirect_dma semaphore(%arg13 : memref<!tpu.dma_semaphore, #tpu.memory_space<semaphore_mem>>) src(%dma_wait3A_96 : memref<2000000x64xf32, #tpu.memory_space<hbm>>) dst(%arg9 : memref<400x64xf32, #tpu.memory_space<vmem>>)
      %add3A_97 = arith.constant 2 : i32
      %add3A_98 = arith.addi %add3A_89, %add3A_97 : i32
      %lt3A_99 = arith.constant 64 : i32
      %lt3A_100 = arith.cmpi slt, %add3A_98, %lt3A_99 : i32
      %convert_element_type3A_101 = arith.extui %lt3A_100 : i1 to i32
      %cond3A_102 = arith.constant 0 : i32
      %cond3A_103 = arith.cmpi ne, %convert_element_type3A_101, %cond3A_102 : i32
      scf.if %cond3A_103 {
        %add3A_204 = arith.constant 2 : i32
        %add3A_205 = arith.addi %add3A_89, %add3A_204 : i32
        %mul3A_206 = arith.constant 400 : i32
        %mul3A_207 = arith.muli %add3A_205, %mul3A_206 : i32
        %add3A_208 = arith.addi %mul3A_2, %mul3A_207 : i32
        %dma_start3A_209 = tpu.memref_slice %arg2[%add3A_208] : memref<819200xi32, #tpu.memory_space<hbm>> -> memref<400xi32, #tpu.memory_space<hbm>>
        %dma_start3A_210 = tpu.memref_slice %arg2[%add3A_208] : memref<819200xi32, #tpu.memory_space<hbm>> -> memref<400xi32, #tpu.memory_space<hbm>>
        tpu.enqueue_dma source(%dma_start3A_210 : memref<400xi32, #tpu.memory_space<hbm>>) target(%arg5 : memref<400xi32, #tpu.memory_space<vmem>>) target_semaphore(%arg11 : memref<!tpu.dma_semaphore, #tpu.memory_space<semaphore_mem>>)
      } else {
      }
      %parallel_loop3A = arith.constant 0 : i32
      %parallel_loop3A_104 = arith.constant 400 : i32
      %parallel_loop3A_105 = arith.constant 1 : i32
      scf.for %parallel_loop3A_204 = %parallel_loop3A to %parallel_loop3A_104 step %parallel_loop3A_105  : i32 {
        %parallel_loop3A_205 = arith.index_cast %parallel_loop3A_204 : i32 to index
        %parallel_loop3A_206 = arith.constant 0 : index
        %parallel_loop3A_207 = tpu.vector_load %arg9[%parallel_loop3A_205, %parallel_loop3A_206] {strides = array<i32>} : memref<400x64xf32, #tpu.memory_space<vmem>>, vector<1x16xf32>,
        %parallel_loop3A_208 = vector.shape_cast %parallel_loop3A_207 : vector<1x16xf32> to vector<16xf32>
        %parallel_loop3A_209 = arith.constant 8.000000e+00 : f32
        %parallel_loop3A_210 = vector.broadcast %parallel_loop3A_209 : f32 to vector<16xf32>
        %parallel_loop3A_211 = arith.mulf %parallel_loop3A_208, %parallel_loop3A_210 : vector<16xf32>
        %parallel_loop3A_212 = arith.index_cast %parallel_loop3A_204 : i32 to index
        %parallel_loop3A_213 = arith.constant 0 : index
        %parallel_loop3A_214 = tpu.vector_load %arg9[%parallel_loop3A_212, %parallel_loop3A_213] {strides = array<i32>} : memref<400x64xf32, #tpu.memory_space<vmem>>, vector<1x16xf32>,
        %parallel_loop3A_215 = vector.shape_cast %parallel_loop3A_214 : vector<1x16xf32> to vector<16xf32>
        %parallel_loop3A_216 = vector.shape_cast %parallel_loop3A_211 : vector<16xf32> to vector<1x16xf32>
        tpu.vector_store %arg9[%parallel_loop3A_212, %parallel_loop3A_213], %parallel_loop3A_216 {strides = array<i32>} : memref<400x64xf32, #tpu.memory_space<vmem>>, vector<1x16xf32>,
        %parallel_loop3A_217 = arith.index_cast %parallel_loop3A_204 : i32 to index
        %parallel_loop3A_218 = arith.constant 16 : index
        %parallel_loop3A_219 = tpu.vector_load %arg9[%parallel_loop3A_217, %parallel_loop3A_218] {strides = array<i32>} : memref<400x64xf32, #tpu.memory_space<vmem>>, vector<1x16xf32>,
        %parallel_loop3A_220 = vector.shape_cast %parallel_loop3A_219 : vector<1x16xf32> to vector<16xf32>
        %parallel_loop3A_221 = arith.constant 8.000000e+00 : f32
        %parallel_loop3A_222 = vector.broadcast %parallel_loop3A_221 : f32 to vector<16xf32>
        %parallel_loop3A_223 = arith.mulf %parallel_loop3A_220, %parallel_loop3A_222 : vector<16xf32>
        %parallel_loop3A_224 = arith.index_cast %parallel_loop3A_204 : i32 to index
        %parallel_loop3A_225 = arith.constant 16 : index
        %parallel_loop3A_226 = tpu.vector_load %arg9[%parallel_loop3A_224, %parallel_loop3A_225] {strides = array<i32>} : memref<400x64xf32, #tpu.memory_space<vmem>>, vector<1x16xf32>,
        %parallel_loop3A_227 = vector.shape_cast %parallel_loop3A_226 : vector<1x16xf32> to vector<16xf32>
        %parallel_loop3A_228 = vector.shape_cast %parallel_loop3A_223 : vector<16xf32> to vector<1x16xf32>
        tpu.vector_store %arg9[%parallel_loop3A_224, %parallel_loop3A_225], %parallel_loop3A_228 {strides = array<i32>} : memref<400x64xf32, #tpu.memory_space<vmem>>, vector<1x16xf32>,
        %parallel_loop3A_229 = arith.index_cast %parallel_loop3A_204 : i32 to index
        %parallel_loop3A_230 = arith.constant 32 : index
        %parallel_loop3A_231 = tpu.vector_load %arg9[%parallel_loop3A_229, %parallel_loop3A_230] {strides = array<i32>} : memref<400x64xf32, #tpu.memory_space<vmem>>, vector<1x16xf32>,
        %parallel_loop3A_232 = vector.shape_cast %parallel_loop3A_231 : vector<1x16xf32> to vector<16xf32>
        %parallel_loop3A_233 = arith.constant 8.000000e+00 : f32
        %parallel_loop3A_234 = vector.broadcast %parallel_loop3A_233 : f32 to vector<16xf32>
        %parallel_loop3A_235 = arith.mulf %parallel_loop3A_232, %parallel_loop3A_234 : vector<16xf32>
        %parallel_loop3A_236 = arith.index_cast %parallel_loop3A_204 : i32 to index
        %parallel_loop3A_237 = arith.constant 32 : index
        %parallel_loop3A_238 = tpu.vector_load %arg9[%parallel_loop3A_236, %parallel_loop3A_237] {strides = array<i32>} : memref<400x64xf32, #tpu.memory_space<vmem>>, vector<1x16xf32>,
        %parallel_loop3A_239 = vector.shape_cast %parallel_loop3A_238 : vector<1x16xf32> to vector<16xf32>
        %parallel_loop3A_240 = vector.shape_cast %parallel_loop3A_235 : vector<16xf32> to vector<1x16xf32>
        tpu.vector_store %arg9[%parallel_loop3A_236, %parallel_loop3A_237], %parallel_loop3A_240 {strides = array<i32>} : memref<400x64xf32, #tpu.memory_space<vmem>>, vector<1x16xf32>,
        %parallel_loop3A_241 = arith.index_cast %parallel_loop3A_204 : i32 to index
        %parallel_loop3A_242 = arith.constant 48 : index
        %parallel_loop3A_243 = tpu.vector_load %arg9[%parallel_loop3A_241, %parallel_loop3A_242] {strides = array<i32>} : memref<400x64xf32, #tpu.memory_space<vmem>>, vector<1x16xf32>,
        %parallel_loop3A_244 = vector.shape_cast %parallel_loop3A_243 : vector<1x16xf32> to vector<16xf32>
        %parallel_loop3A_245 = arith.constant 8.000000e+00 : f32
        %parallel_loop3A_246 = vector.broadcast %parallel_loop3A_245 : f32 to vector<16xf32>
        %parallel_loop3A_247 = arith.mulf %parallel_loop3A_244, %parallel_loop3A_246 : vector<16xf32>
        %parallel_loop3A_248 = arith.index_cast %parallel_loop3A_204 : i32 to index
        %parallel_loop3A_249 = arith.constant 48 : index
        %parallel_loop3A_250 = tpu.vector_load %arg9[%parallel_loop3A_248, %parallel_loop3A_249] {strides = array<i32>} : memref<400x64xf32, #tpu.memory_space<vmem>>, vector<1x16xf32>,
        %parallel_loop3A_251 = vector.shape_cast %parallel_loop3A_250 : vector<1x16xf32> to vector<16xf32>
        %parallel_loop3A_252 = vector.shape_cast %parallel_loop3A_247 : vector<16xf32> to vector<1x16xf32>
        tpu.vector_store %arg9[%parallel_loop3A_248, %parallel_loop3A_249], %parallel_loop3A_252 {strides = array<i32>} : memref<400x64xf32, #tpu.memory_space<vmem>>, vector<1x16xf32>,
      } {sc.loop_unroll_factor = 4 : i64, sc.parallel_access}
      %mul3A_106 = arith.constant 128 : i32
      %mul3A_107 = arith.muli %add3A, %mul3A_106 : i32
      %mul3A_108 = arith.constant 2 : i32
      %mul3A_109 = arith.muli %add3A_89, %mul3A_108 : i32
      %add3A_110 = arith.addi %mul3A_107, %mul3A_109 : i32
      %add3A_111 = arith.constant 0 : i32
      %add3A_112 = arith.addi %add3A_110, %add3A_111 : i32
      %dma_start3A_113 = arith.constant 0 : i32
      %dma_start3A_114 = arith.constant 0 : i32
      %dma_start3A_115 = tpu.memref_slice %arg9[%dma_start3A_113, %dma_start3A_114] : memref<400x64xf32, #tpu.memory_space<vmem>> -> memref<200x64xf32, #tpu.memory_space<vmem>>
      %dma_start3A_116 = arith.constant 0 : i32
      %dma_start3A_117 = arith.constant 0 : i32
      %dma_start3A_118 = tpu.memref_slice %arg4[%add3A_112, %dma_start3A_116, %dma_start3A_117] : memref<4096x200x128xf32, #tpu.memory_space<hbm>> -> memref<1x200x64xf32, #tpu.memory_space<hbm>>
      %dma_start3A_119 = tpu.memref_squeeze %dma_start3A_118 : memref<1x200x64xf32, #tpu.memory_space<hbm>> -> memref<200x64xf32, #tpu.memory_space<hbm>>
      %dma_start3A_120 = arith.constant 0 : i32
      %dma_start3A_121 = arith.constant 0 : i32
      %dma_start3A_122 = tpu.memref_slice %arg4[%add3A_112, %dma_start3A_120, %dma_start3A_121] : memref<4096x200x128xf32, #tpu.memory_space<hbm>> -> memref<1x200x64xf32, #tpu.memory_space<hbm>>
      %dma_start3A_123 = tpu.memref_squeeze %dma_start3A_122 : memref<1x200x64xf32, #tpu.memory_space<hbm>> -> memref<200x64xf32, #tpu.memory_space<hbm>>
      %dma_start3A_124 = arith.constant 0 : i32
      %dma_start3A_125 = arith.constant 0 : i32
      %dma_start3A_126 = tpu.memref_slice %arg9[%dma_start3A_124, %dma_start3A_125] : memref<400x64xf32, #tpu.memory_space<vmem>> -> memref<200x64xf32, #tpu.memory_space<vmem>>
      tpu.enqueue_dma source(%dma_start3A_126 : memref<200x64xf32, #tpu.memory_space<vmem>>) target(%dma_start3A_123 : memref<200x64xf32, #tpu.memory_space<hbm>>) target_semaphore(%arg15 : memref<!tpu.dma_semaphore, #tpu.memory_space<semaphore_mem>>)
      %add3A_127 = arith.constant 1 : i32
      %add3A_128 = arith.addi %add3A_110, %add3A_127 : i32
      %dma_start3A_129 = arith.constant 200 : i32
      %dma_start3A_130 = arith.constant 0 : i32
      %dma_start3A_131 = tpu.memref_slice %arg9[%dma_start3A_129, %dma_start3A_130] : memref<400x64xf32, #tpu.memory_space<vmem>> -> memref<200x64xf32, #tpu.memory_space<vmem>>
      %dma_start3A_132 = arith.constant 0 : i32
      %dma_start3A_133 = arith.constant 0 : i32
      %dma_start3A_134 = tpu.memref_slice %arg4[%add3A_128, %dma_start3A_132, %dma_start3A_133] : memref<4096x200x128xf32, #tpu.memory_space<hbm>> -> memref<1x200x64xf32, #tpu.memory_space<hbm>>
      %dma_start3A_135 = tpu.memref_squeeze %dma_start3A_134 : memref<1x200x64xf32, #tpu.memory_space<hbm>> -> memref<200x64xf32, #tpu.memory_space<hbm>>
      %dma_start3A_136 = arith.constant 0 : i32
      %dma_start3A_137 = arith.constant 0 : i32
      %dma_start3A_138 = tpu.memref_slice %arg4[%add3A_128, %dma_start3A_136, %dma_start3A_137] : memref<4096x200x128xf32, #tpu.memory_space<hbm>> -> memref<1x200x64xf32, #tpu.memory_space<hbm>>
      %dma_start3A_139 = tpu.memref_squeeze %dma_start3A_138 : memref<1x200x64xf32, #tpu.memory_space<hbm>> -> memref<200x64xf32, #tpu.memory_space<hbm>>
      %dma_start3A_140 = arith.constant 200 : i32
      %dma_start3A_141 = arith.constant 0 : i32
      %dma_start3A_142 = tpu.memref_slice %arg9[%dma_start3A_140, %dma_start3A_141] : memref<400x64xf32, #tpu.memory_space<vmem>> -> memref<200x64xf32, #tpu.memory_space<vmem>>
      tpu.enqueue_dma source(%dma_start3A_142 : memref<200x64xf32, #tpu.memory_space<vmem>>) target(%dma_start3A_139 : memref<200x64xf32, #tpu.memory_space<hbm>>) target_semaphore(%arg15 : memref<!tpu.dma_semaphore, #tpu.memory_space<semaphore_mem>>)
      %mul3A_143 = arith.constant 2 : i32
      %mul3A_144 = arith.muli %mul3A_143, %scan3A_85 : i32
      %add3A_145 = arith.constant 1 : i32
      %add3A_146 = arith.addi %mul3A_144, %add3A_145 : i32
      %add3A_147 = arith.constant 1 : i32
      %add3A_148 = arith.addi %add3A_146, %add3A_147 : i32
      %lt3A_149 = arith.constant 64 : i32
      %lt3A_150 = arith.cmpi slt, %add3A_148, %lt3A_149 : i32
      %convert_element_type3A_151 = arith.extui %lt3A_150 : i1 to i32
      %cond3A_152 = arith.constant 0 : i32
      %cond3A_153 = arith.cmpi ne, %convert_element_type3A_151, %cond3A_152 : i32
      scf.if %cond3A_153 {
        %dma_wait3A_204 = tpu.memref_slice %arg2[%mul3A_2] : memref<819200xi32, #tpu.memory_space<hbm>> -> memref<400xi32, #tpu.memory_space<hbm>>
        %dma_wait3A_205 = tpu.memref_slice %arg2[%mul3A_2] : memref<819200xi32, #tpu.memory_space<hbm>> -> memref<400xi32, #tpu.memory_space<hbm>>
        tpu.wait_dma2 semaphore(%arg11 : memref<!tpu.dma_semaphore, #tpu.memory_space<semaphore_mem>>) src(%dma_wait3A_205 : memref<400xi32, #tpu.memory_space<hbm>>) dst(%arg5 : memref<400xi32, #tpu.memory_space<vmem>>)
        %ge3A = arith.constant 1 : i32
        %ge3A_206 = arith.cmpi sge, %add3A_146, %ge3A : i32
        %convert_element_type3A_207 = arith.extui %ge3A_206 : i1 to i32
        %cond3A_208 = arith.constant 0 : i32
        %cond3A_209 = arith.cmpi ne, %convert_element_type3A_207, %cond3A_208 : i32
        scf.if %cond3A_209 {
          %dma_wait3A_219 = arith.constant 0 : i32
          %dma_wait3A_220 = arith.constant 0 : i32
          %dma_wait3A_221 = arith.constant 0 : i32
          %dma_wait3A_222 = tpu.memref_slice %arg9[%dma_wait3A_220, %dma_wait3A_221] : memref<400x64xf32, #tpu.memory_space<vmem>> -> memref<200x64xf32, #tpu.memory_space<vmem>>
          %dma_wait3A_223 = arith.constant 0 : i32
          %dma_wait3A_224 = arith.constant 0 : i32
          %dma_wait3A_225 = tpu.memref_slice %arg4[%dma_wait3A_219, %dma_wait3A_223, %dma_wait3A_224] : memref<4096x200x128xf32, #tpu.memory_space<hbm>> -> memref<1x200x64xf32, #tpu.memory_space<hbm>>
          %dma_wait3A_226 = tpu.memref_squeeze %dma_wait3A_225 : memref<1x200x64xf32, #tpu.memory_space<hbm>> -> memref<200x64xf32, #tpu.memory_space<hbm>>
          %dma_wait3A_227 = arith.constant 0 : i32
          %dma_wait3A_228 = arith.constant 0 : i32
          %dma_wait3A_229 = tpu.memref_slice %arg4[%dma_wait3A_219, %dma_wait3A_227, %dma_wait3A_228] : memref<4096x200x128xf32, #tpu.memory_space<hbm>> -> memref<1x200x64xf32, #tpu.memory_space<hbm>>
          %dma_wait3A_230 = tpu.memref_squeeze %dma_wait3A_229 : memref<1x200x64xf32, #tpu.memory_space<hbm>> -> memref<200x64xf32, #tpu.memory_space<hbm>>
          %dma_wait3A_231 = arith.constant 0 : i32
          %dma_wait3A_232 = arith.constant 0 : i32
          %dma_wait3A_233 = tpu.memref_slice %arg9[%dma_wait3A_231, %dma_wait3A_232] : memref<400x64xf32, #tpu.memory_space<vmem>> -> memref<200x64xf32, #tpu.memory_space<vmem>>
          tpu.wait_dma2 semaphore(%arg15 : memref<!tpu.dma_semaphore, #tpu.memory_space<semaphore_mem>>) src(%dma_wait3A_233 : memref<200x64xf32, #tpu.memory_space<vmem>>) dst(%dma_wait3A_230 : memref<200x64xf32, #tpu.memory_space<hbm>>)
          %dma_wait3A_234 = arith.constant 0 : i32
          %dma_wait3A_235 = arith.constant 0 : i32
          %dma_wait3A_236 = arith.constant 0 : i32
          %dma_wait3A_237 = tpu.memref_slice %arg9[%dma_wait3A_235, %dma_wait3A_236] : memref<400x64xf32, #tpu.memory_space<vmem>> -> memref<200x64xf32, #tpu.memory_space<vmem>>
          %dma_wait3A_238 = arith.constant 0 : i32
          %dma_wait3A_239 = arith.constant 0 : i32
          %dma_wait3A_240 = tpu.memref_slice %arg4[%dma_wait3A_234, %dma_wait3A_238, %dma_wait3A_239] : memref<4096x200x128xf32, #tpu.memory_space<hbm>> -> memref<1x200x64xf32, #tpu.memory_space<hbm>>
          %dma_wait3A_241 = tpu.memref_squeeze %dma_wait3A_240 : memref<1x200x64xf32, #tpu.memory_space<hbm>> -> memref<200x64xf32, #tpu.memory_space<hbm>>
          %dma_wait3A_242 = arith.constant 0 : i32
          %dma_wait3A_243 = arith.constant 0 : i32
          %dma_wait3A_244 = tpu.memref_slice %arg4[%dma_wait3A_234, %dma_wait3A_242, %dma_wait3A_243] : memref<4096x200x128xf32, #tpu.memory_space<hbm>> -> memref<1x200x64xf32, #tpu.memory_space<hbm>>
          %dma_wait3A_245 = tpu.memref_squeeze %dma_wait3A_244 : memref<1x200x64xf32, #tpu.memory_space<hbm>> -> memref<200x64xf32, #tpu.memory_space<hbm>>
          %dma_wait3A_246 = arith.constant 0 : i32
          %dma_wait3A_247 = arith.constant 0 : i32
          %dma_wait3A_248 = tpu.memref_slice %arg9[%dma_wait3A_246, %dma_wait3A_247] : memref<400x64xf32, #tpu.memory_space<vmem>> -> memref<200x64xf32, #tpu.memory_space<vmem>>
          tpu.wait_dma2 semaphore(%arg15 : memref<!tpu.dma_semaphore, #tpu.memory_space<semaphore_mem>>) src(%dma_wait3A_248 : memref<200x64xf32, #tpu.memory_space<vmem>>) dst(%dma_wait3A_245 : memref<200x64xf32, #tpu.memory_space<hbm>>)
        } else {
        }
        %scan3A_210 = arith.constant 0 : i32
        %scan3A_211 = arith.constant 0 : i32
        %scan3A_212 = arith.constant 25 : i32
        %scan3A_213 = arith.addi %scan3A_211, %scan3A_212 : i32
        %scan3A_214 = arith.constant 1 : i32
        scf.for %scan3A_219 = %scan3A_211 to %scan3A_213 step %scan3A_214  : i32 {
          %mul3A_220 = arith.constant 16 : i32
          %mul3A_221 = arith.muli %scan3A_219, %mul3A_220 : i32
          %get3A = arith.index_cast %mul3A_221 : i32 to index
          %get3A_222 = tpu.vector_load %arg5[%get3A] {strides = array<i32>} : memref<400xi32, #tpu.memory_space<vmem>>, vector<16xi32>,
          %get3A_223 = vector.shape_cast %get3A_222 : vector<16xi32> to vector<16xi32>
          %mul3A_224 = arith.constant 2 : i32
          %mul3A_225 = vector.broadcast %mul3A_224 : i32 to vector<16xi32>
          %mul3A_226 = arith.muli %get3A_223, %mul3A_225 : vector<16xi32>
          %swap3A = arith.index_cast %mul3A_221 : i32 to index
          %swap3A_227 = tpu.vector_load %arg7[%swap3A] {strides = array<i32>} : memref<400xi32, #tpu.memory_space<vmem>>, vector<16xi32>,
          %swap3A_228 = vector.shape_cast %swap3A_227 : vector<16xi32> to vector<16xi32>
          %swap3A_229 = vector.shape_cast %mul3A_226 : vector<16xi32> to vector<16xi32>
          tpu.vector_store %arg7[%swap3A], %swap3A_229 {strides = array<i32>} : memref<400xi32, #tpu.memory_space<vmem>>, vector<16xi32>,
        }
        %scan3A_215 = arith.constant 25 : i32
        %dma_start3A_216 = arith.constant 0 : i32
        %dma_start3A_217 = arith.constant 0 : i32
        %dma_start3A_218 = tpu.memref_slice %arg3[%dma_start3A_216, %dma_start3A_217] : memref<2000000x64xf32, #tpu.memory_space<hbm>> -> memref<2000000x64xf32, #tpu.memory_space<hbm>>
        tpu.enqueue_indirect_dma source(%dma_start3A_218 : memref<2000000x64xf32, #tpu.memory_space<hbm>>) target(%arg9 : memref<400x64xf32, #tpu.memory_space<vmem>>) offsets(%arg7 : memref<400xi32, #tpu.memory_space<vmem>>) semaphore(%arg13 : memref<!tpu.dma_semaphore, #tpu.memory_space<semaphore_mem>>)
      } else {
      }
      %dma_wait3A_154 = arith.constant 0 : i32
      %dma_wait3A_155 = arith.constant 0 : i32
      %dma_wait3A_156 = tpu.memref_slice %arg3[%dma_wait3A_154, %dma_wait3A_155] : memref<2000000x64xf32, #tpu.memory_space<hbm>> -> memref<2000000x64xf32, #tpu.memory_space<hbm>>
      tpu.wait_indirect_dma semaphore(%arg14 : memref<!tpu.dma_semaphore, #tpu.memory_space<semaphore_mem>>) src(%dma_wait3A_156 : memref<2000000x64xf32, #tpu.memory_space<hbm>>) dst(%arg10 : memref<400x64xf32, #tpu.memory_space<vmem>>)
      %add3A_157 = arith.constant 2 : i32
      %add3A_158 = arith.addi %add3A_146, %add3A_157 : i32
      %lt3A_159 = arith.constant 64 : i32
      %lt3A_160 = arith.cmpi slt, %add3A_158, %lt3A_159 : i32
      %convert_element_type3A_161 = arith.extui %lt3A_160 : i1 to i32
      %cond3A_162 = arith.constant 0 : i32
      %cond3A_163 = arith.cmpi ne, %convert_element_type3A_161, %cond3A_162 : i32
      scf.if %cond3A_163 {
        %add3A_204 = arith.constant 2 : i32
        %add3A_205 = arith.addi %add3A_146, %add3A_204 : i32
        %mul3A_206 = arith.constant 400 : i32
        %mul3A_207 = arith.muli %add3A_205, %mul3A_206 : i32
        %add3A_208 = arith.addi %mul3A_2, %mul3A_207 : i32
        %dma_start3A_209 = tpu.memref_slice %arg2[%add3A_208] : memref<819200xi32, #tpu.memory_space<hbm>> -> memref<400xi32, #tpu.memory_space<hbm>>
        %dma_start3A_210 = tpu.memref_slice %arg2[%add3A_208] : memref<819200xi32, #tpu.memory_space<hbm>> -> memref<400xi32, #tpu.memory_space<hbm>>
        tpu.enqueue_dma source(%dma_start3A_210 : memref<400xi32, #tpu.memory_space<hbm>>) target(%arg6 : memref<400xi32, #tpu.memory_space<vmem>>) target_semaphore(%arg12 : memref<!tpu.dma_semaphore, #tpu.memory_space<semaphore_mem>>)
      } else {
      }
      %parallel_loop3A_164 = arith.constant 0 : i32
      %parallel_loop3A_165 = arith.constant 400 : i32
      %parallel_loop3A_166 = arith.constant 1 : i32
      scf.for %parallel_loop3A_204 = %parallel_loop3A_164 to %parallel_loop3A_165 step %parallel_loop3A_166  : i32 {
        %parallel_loop3A_205 = arith.index_cast %parallel_loop3A_204 : i32 to index
        %parallel_loop3A_206 = arith.constant 0 : index
        %parallel_loop3A_207 = tpu.vector_load %arg10[%parallel_loop3A_205, %parallel_loop3A_206] {strides = array<i32>} : memref<400x64xf32, #tpu.memory_space<vmem>>, vector<1x16xf32>,
        %parallel_loop3A_208 = vector.shape_cast %parallel_loop3A_207 : vector<1x16xf32> to vector<16xf32>
        %parallel_loop3A_209 = arith.constant 8.000000e+00 : f32
        %parallel_loop3A_210 = vector.broadcast %parallel_loop3A_209 : f32 to vector<16xf32>
        %parallel_loop3A_211 = arith.mulf %parallel_loop3A_208, %parallel_loop3A_210 : vector<16xf32>
        %parallel_loop3A_212 = arith.index_cast %parallel_loop3A_204 : i32 to index
        %parallel_loop3A_213 = arith.constant 0 : index
        %parallel_loop3A_214 = tpu.vector_load %arg10[%parallel_loop3A_212, %parallel_loop3A_213] {strides = array<i32>} : memref<400x64xf32, #tpu.memory_space<vmem>>, vector<1x16xf32>,
        %parallel_loop3A_215 = vector.shape_cast %parallel_loop3A_214 : vector<1x16xf32> to vector<16xf32>
        %parallel_loop3A_216 = vector.shape_cast %parallel_loop3A_211 : vector<16xf32> to vector<1x16xf32>
        tpu.vector_store %arg10[%parallel_loop3A_212, %parallel_loop3A_213], %parallel_loop3A_216 {strides = array<i32>} : memref<400x64xf32, #tpu.memory_space<vmem>>, vector<1x16xf32>,
        %parallel_loop3A_217 = arith.index_cast %parallel_loop3A_204 : i32 to index
        %parallel_loop3A_218 = arith.constant 16 : index
        %parallel_loop3A_219 = tpu.vector_load %arg10[%parallel_loop3A_217, %parallel_loop3A_218] {strides = array<i32>} : memref<400x64xf32, #tpu.memory_space<vmem>>, vector<1x16xf32>,
        %parallel_loop3A_220 = vector.shape_cast %parallel_loop3A_219 : vector<1x16xf32> to vector<16xf32>
        %parallel_loop3A_221 = arith.constant 8.000000e+00 : f32
        %parallel_loop3A_222 = vector.broadcast %parallel_loop3A_221 : f32 to vector<16xf32>
        %parallel_loop3A_223 = arith.mulf %parallel_loop3A_220, %parallel_loop3A_222 : vector<16xf32>
        %parallel_loop3A_224 = arith.index_cast %parallel_loop3A_204 : i32 to index
        %parallel_loop3A_225 = arith.constant 16 : index
        %parallel_loop3A_226 = tpu.vector_load %arg10[%parallel_loop3A_224, %parallel_loop3A_225] {strides = array<i32>} : memref<400x64xf32, #tpu.memory_space<vmem>>, vector<1x16xf32>,
        %parallel_loop3A_227 = vector.shape_cast %parallel_loop3A_226 : vector<1x16xf32> to vector<16xf32>
        %parallel_loop3A_228 = vector.shape_cast %parallel_loop3A_223 : vector<16xf32> to vector<1x16xf32>
        tpu.vector_store %arg10[%parallel_loop3A_224, %parallel_loop3A_225], %parallel_loop3A_228 {strides = array<i32>} : memref<400x64xf32, #tpu.memory_space<vmem>>, vector<1x16xf32>,
        %parallel_loop3A_229 = arith.index_cast %parallel_loop3A_204 : i32 to index
        %parallel_loop3A_230 = arith.constant 32 : index
        %parallel_loop3A_231 = tpu.vector_load %arg10[%parallel_loop3A_229, %parallel_loop3A_230] {strides = array<i32>} : memref<400x64xf32, #tpu.memory_space<vmem>>, vector<1x16xf32>,
        %parallel_loop3A_232 = vector.shape_cast %parallel_loop3A_231 : vector<1x16xf32> to vector<16xf32>
        %parallel_loop3A_233 = arith.constant 8.000000e+00 : f32
        %parallel_loop3A_234 = vector.broadcast %parallel_loop3A_233 : f32 to vector<16xf32>
        %parallel_loop3A_235 = arith.mulf %parallel_loop3A_232, %parallel_loop3A_234 : vector<16xf32>
        %parallel_loop3A_236 = arith.index_cast %parallel_loop3A_204 : i32 to index
        %parallel_loop3A_237 = arith.constant 32 : index
        %parallel_loop3A_238 = tpu.vector_load %arg10[%parallel_loop3A_236, %parallel_loop3A_237] {strides = array<i32>} : memref<400x64xf32, #tpu.memory_space<vmem>>, vector<1x16xf32>,
        %parallel_loop3A_239 = vector.shape_cast %parallel_loop3A_238 : vector<1x16xf32> to vector<16xf32>
        %parallel_loop3A_240 = vector.shape_cast %parallel_loop3A_235 : vector<16xf32> to vector<1x16xf32>
        tpu.vector_store %arg10[%parallel_loop3A_236, %parallel_loop3A_237], %parallel_loop3A_240 {strides = array<i32>} : memref<400x64xf32, #tpu.memory_space<vmem>>, vector<1x16xf32>,
        %parallel_loop3A_241 = arith.index_cast %parallel_loop3A_204 : i32 to index
        %parallel_loop3A_242 = arith.constant 48 : index
        %parallel_loop3A_243 = tpu.vector_load %arg10[%parallel_loop3A_241, %parallel_loop3A_242] {strides = array<i32>} : memref<400x64xf32, #tpu.memory_space<vmem>>, vector<1x16xf32>,
        %parallel_loop3A_244 = vector.shape_cast %parallel_loop3A_243 : vector<1x16xf32> to vector<16xf32>
        %parallel_loop3A_245 = arith.constant 8.000000e+00 : f32
        %parallel_loop3A_246 = vector.broadcast %parallel_loop3A_245 : f32 to vector<16xf32>
        %parallel_loop3A_247 = arith.mulf %parallel_loop3A_244, %parallel_loop3A_246 : vector<16xf32>
        %parallel_loop3A_248 = arith.index_cast %parallel_loop3A_204 : i32 to index
        %parallel_loop3A_249 = arith.constant 48 : index
        %parallel_loop3A_250 = tpu.vector_load %arg10[%parallel_loop3A_248, %parallel_loop3A_249] {strides = array<i32>} : memref<400x64xf32, #tpu.memory_space<vmem>>, vector<1x16xf32>,
        %parallel_loop3A_251 = vector.shape_cast %parallel_loop3A_250 : vector<1x16xf32> to vector<16xf32>
        %parallel_loop3A_252 = vector.shape_cast %parallel_loop3A_247 : vector<16xf32> to vector<1x16xf32>
        tpu.vector_store %arg10[%parallel_loop3A_248, %parallel_loop3A_249], %parallel_loop3A_252 {strides = array<i32>} : memref<400x64xf32, #tpu.memory_space<vmem>>, vector<1x16xf32>,
      } {sc.loop_unroll_factor = 4 : i64, sc.parallel_access}
      %mul3A_167 = arith.constant 128 : i32
      %mul3A_168 = arith.muli %add3A, %mul3A_167 : i32
      %mul3A_169 = arith.constant 2 : i32
      %mul3A_170 = arith.muli %add3A_146, %mul3A_169 : i32
      %add3A_171 = arith.addi %mul3A_168, %mul3A_170 : i32
      %add3A_172 = arith.constant 0 : i32
      %add3A_173 = arith.addi %add3A_171, %add3A_172 : i32
      %dma_start3A_174 = arith.constant 0 : i32
      %dma_start3A_175 = arith.constant 0 : i32
      %dma_start3A_176 = tpu.memref_slice %arg10[%dma_start3A_174, %dma_start3A_175] : memref<400x64xf32, #tpu.memory_space<vmem>> -> memref<200x64xf32, #tpu.memory_space<vmem>>
      %dma_start3A_177 = arith.constant 0 : i32
      %dma_start3A_178 = arith.constant 0 : i32
      %dma_start3A_179 = tpu.memref_slice %arg4[%add3A_173, %dma_start3A_177, %dma_start3A_178] : memref<4096x200x128xf32, #tpu.memory_space<hbm>> -> memref<1x200x64xf32, #tpu.memory_space<hbm>>
      %dma_start3A_180 = tpu.memref_squeeze %dma_start3A_179 : memref<1x200x64xf32, #tpu.memory_space<hbm>> -> memref<200x64xf32, #tpu.memory_space<hbm>>
      %dma_start3A_181 = arith.constant 0 : i32
      %dma_start3A_182 = arith.constant 0 : i32
      %dma_start3A_183 = tpu.memref_slice %arg4[%add3A_173, %dma_start3A_181, %dma_start3A_182] : memref<4096x200x128xf32, #tpu.memory_space<hbm>> -> memref<1x200x64xf32, #tpu.memory_space<hbm>>
      %dma_start3A_184 = tpu.memref_squeeze %dma_start3A_183 : memref<1x200x64xf32, #tpu.memory_space<hbm>> -> memref<200x64xf32, #tpu.memory_space<hbm>>
      %dma_start3A_185 = arith.constant 0 : i32
      %dma_start3A_186 = arith.constant 0 : i32
      %dma_start3A_187 = tpu.memref_slice %arg10[%dma_start3A_185, %dma_start3A_186] : memref<400x64xf32, #tpu.memory_space<vmem>> -> memref<200x64xf32, #tpu.memory_space<vmem>>
      tpu.enqueue_dma source(%dma_start3A_187 : memref<200x64xf32, #tpu.memory_space<vmem>>) target(%dma_start3A_184 : memref<200x64xf32, #tpu.memory_space<hbm>>) target_semaphore(%arg16 : memref<!tpu.dma_semaphore, #tpu.memory_space<semaphore_mem>>)
      %add3A_188 = arith.constant 1 : i32
      %add3A_189 = arith.addi %add3A_171, %add3A_188 : i32
      %dma_start3A_190 = arith.constant 200 : i32
      %dma_start3A_191 = arith.constant 0 : i32
      %dma_start3A_192 = tpu.memref_slice %arg10[%dma_start3A_190, %dma_start3A_191] : memref<400x64xf32, #tpu.memory_space<vmem>> -> memref<200x64xf32, #tpu.memory_space<vmem>>
      %dma_start3A_193 = arith.constant 0 : i32
      %dma_start3A_194 = arith.constant 0 : i32
      %dma_start3A_195 = tpu.memref_slice %arg4[%add3A_189, %dma_start3A_193, %dma_start3A_194] : memref<4096x200x128xf32, #tpu.memory_space<hbm>> -> memref<1x200x64xf32, #tpu.memory_space<hbm>>
      %dma_start3A_196 = tpu.memref_squeeze %dma_start3A_195 : memref<1x200x64xf32, #tpu.memory_space<hbm>> -> memref<200x64xf32, #tpu.memory_space<hbm>>
      %dma_start3A_197 = arith.constant 0 : i32
      %dma_start3A_198 = arith.constant 0 : i32
      %dma_start3A_199 = tpu.memref_slice %arg4[%add3A_189, %dma_start3A_197, %dma_start3A_198] : memref<4096x200x128xf32, #tpu.memory_space<hbm>> -> memref<1x200x64xf32, #tpu.memory_space<hbm>>
      %dma_start3A_200 = tpu.memref_squeeze %dma_start3A_199 : memref<1x200x64xf32, #tpu.memory_space<hbm>> -> memref<200x64xf32, #tpu.memory_space<hbm>>
      %dma_start3A_201 = arith.constant 200 : i32
      %dma_start3A_202 = arith.constant 0 : i32
      %dma_start3A_203 = tpu.memref_slice %arg10[%dma_start3A_201, %dma_start3A_202] : memref<400x64xf32, #tpu.memory_space<vmem>> -> memref<200x64xf32, #tpu.memory_space<vmem>>
      tpu.enqueue_dma source(%dma_start3A_203 : memref<200x64xf32, #tpu.memory_space<vmem>>) target(%dma_start3A_200 : memref<200x64xf32, #tpu.memory_space<hbm>>) target_semaphore(%arg16 : memref<!tpu.dma_semaphore, #tpu.memory_space<semaphore_mem>>)
    }
    %scan3A_24 = arith.constant 32 : i32
    %dma_wait3A_25 = arith.constant 0 : i32
    %dma_wait3A_26 = arith.constant 0 : i32
    %dma_wait3A_27 = arith.constant 0 : i32
    %dma_wait3A_28 = tpu.memref_slice %arg9[%dma_wait3A_26, %dma_wait3A_27] : memref<400x64xf32, #tpu.memory_space<vmem>> -> memref<200x64xf32, #tpu.memory_space<vmem>>
    %dma_wait3A_29 = arith.constant 0 : i32
    %dma_wait3A_30 = arith.constant 0 : i32
    %dma_wait3A_31 = tpu.memref_slice %arg4[%dma_wait3A_25, %dma_wait3A_29, %dma_wait3A_30] : memref<4096x200x128xf32, #tpu.memory_space<hbm>> -> memref<1x200x64xf32, #tpu.memory_space<hbm>>
    %dma_wait3A_32 = tpu.memref_squeeze %dma_wait3A_31 : memref<1x200x64xf32, #tpu.memory_space<hbm>> -> memref<200x64xf32, #tpu.memory_space<hbm>>
    %dma_wait3A_33 = arith.constant 0 : i32
    %dma_wait3A_34 = arith.constant 0 : i32
    %dma_wait3A_35 = tpu.memref_slice %arg4[%dma_wait3A_25, %dma_wait3A_33, %dma_wait3A_34] : memref<4096x200x128xf32, #tpu.memory_space<hbm>> -> memref<1x200x64xf32, #tpu.memory_space<hbm>>
    %dma_wait3A_36 = tpu.memref_squeeze %dma_wait3A_35 : memref<1x200x64xf32, #tpu.memory_space<hbm>> -> memref<200x64xf32, #tpu.memory_space<hbm>>
    %dma_wait3A_37 = arith.constant 0 : i32
    %dma_wait3A_38 = arith.constant 0 : i32
    %dma_wait3A_39 = tpu.memref_slice %arg9[%dma_wait3A_37, %dma_wait3A_38] : memref<400x64xf32, #tpu.memory_space<vmem>> -> memref<200x64xf32, #tpu.memory_space<vmem>>
    tpu.wait_dma2 semaphore(%arg15 : memref<!tpu.dma_semaphore, #tpu.memory_space<semaphore_mem>>) src(%dma_wait3A_39 : memref<200x64xf32, #tpu.memory_space<vmem>>) dst(%dma_wait3A_36 : memref<200x64xf32, #tpu.memory_space<hbm>>)
    %dma_wait3A_40 = arith.constant 0 : i32
    %dma_wait3A_41 = arith.constant 0 : i32
    %dma_wait3A_42 = arith.constant 0 : i32
    %dma_wait3A_43 = tpu.memref_slice %arg9[%dma_wait3A_41, %dma_wait3A_42] : memref<400x64xf32, #tpu.memory_space<vmem>> -> memref<200x64xf32, #tpu.memory_space<vmem>>
    %dma_wait3A_44 = arith.constant 0 : i32
    %dma_wait3A_45 = arith.constant 0 : i32
    %dma_wait3A_46 = tpu.memref_slice %arg4[%dma_wait3A_40, %dma_wait3A_44, %dma_wait3A_45] : memref<4096x200x128xf32, #tpu.memory_space<hbm>> -> memref<1x200x64xf32, #tpu.memory_space<hbm>>
    %dma_wait3A_47 = tpu.memref_squeeze %dma_wait3A_46 : memref<1x200x64xf32, #tpu.memory_space<hbm>> -> memref<200x64xf32, #tpu.memory_space<hbm>>
    %dma_wait3A_48 = arith.constant 0 : i32
    %dma_wait3A_49 = arith.constant 0 : i32
    %dma_wait3A_50 = tpu.memref_slice %arg4[%dma_wait3A_40, %dma_wait3A_48, %dma_wait3A_49] : memref<4096x200x128xf32, #tpu.memory_space<hbm>> -> memref<1x200x64xf32, #tpu.memory_space<hbm>>
    %dma_wait3A_51 = tpu.memref_squeeze %dma_wait3A_50 : memref<1x200x64xf32, #tpu.memory_space<hbm>> -> memref<200x64xf32, #tpu.memory_space<hbm>>
    %dma_wait3A_52 = arith.constant 0 : i32
    %dma_wait3A_53 = arith.constant 0 : i32
    %dma_wait3A_54 = tpu.memref_slice %arg9[%dma_wait3A_52, %dma_wait3A_53] : memref<400x64xf32, #tpu.memory_space<vmem>> -> memref<200x64xf32, #tpu.memory_space<vmem>>
    tpu.wait_dma2 semaphore(%arg15 : memref<!tpu.dma_semaphore, #tpu.memory_space<semaphore_mem>>) src(%dma_wait3A_54 : memref<200x64xf32, #tpu.memory_space<vmem>>) dst(%dma_wait3A_51 : memref<200x64xf32, #tpu.memory_space<hbm>>)
    %dma_wait3A_55 = arith.constant 0 : i32
    %dma_wait3A_56 = arith.constant 0 : i32
    %dma_wait3A_57 = arith.constant 0 : i32
    %dma_wait3A_58 = tpu.memref_slice %arg10[%dma_wait3A_56, %dma_wait3A_57] : memref<400x64xf32, #tpu.memory_space<vmem>> -> memref<200x64xf32, #tpu.memory_space<vmem>>
    %dma_wait3A_59 = arith.constant 0 : i32
    %dma_wait3A_60 = arith.constant 0 : i32
    %dma_wait3A_61 = tpu.memref_slice %arg4[%dma_wait3A_55, %dma_wait3A_59, %dma_wait3A_60] : memref<4096x200x128xf32, #tpu.memory_space<hbm>> -> memref<1x200x64xf32, #tpu.memory_space<hbm>>
    %dma_wait3A_62 = tpu.memref_squeeze %dma_wait3A_61 : memref<1x200x64xf32, #tpu.memory_space<hbm>> -> memref<200x64xf32, #tpu.memory_space<hbm>>
    %dma_wait3A_63 = arith.constant 0 : i32
    %dma_wait3A_64 = arith.constant 0 : i32
    %dma_wait3A_65 = tpu.memref_slice %arg4[%dma_wait3A_55, %dma_wait3A_63, %dma_wait3A_64] : memref<4096x200x128xf32, #tpu.memory_space<hbm>> -> memref<1x200x64xf32, #tpu.memory_space<hbm>>
    %dma_wait3A_66 = tpu.memref_squeeze %dma_wait3A_65 : memref<1x200x64xf32, #tpu.memory_space<hbm>> -> memref<200x64xf32, #tpu.memory_space<hbm>>
    %dma_wait3A_67 = arith.constant 0 : i32
    %dma_wait3A_68 = arith.constant 0 : i32
    %dma_wait3A_69 = tpu.memref_slice %arg10[%dma_wait3A_67, %dma_wait3A_68] : memref<400x64xf32, #tpu.memory_space<vmem>> -> memref<200x64xf32, #tpu.memory_space<vmem>>
    tpu.wait_dma2 semaphore(%arg16 : memref<!tpu.dma_semaphore, #tpu.memory_space<semaphore_mem>>) src(%dma_wait3A_69 : memref<200x64xf32, #tpu.memory_space<vmem>>) dst(%dma_wait3A_66 : memref<200x64xf32, #tpu.memory_space<hbm>>)
    %dma_wait3A_70 = arith.constant 0 : i32
    %dma_wait3A_71 = arith.constant 0 : i32
    %dma_wait3A_72 = arith.constant 0 : i32
    %dma_wait3A_73 = tpu.memref_slice %arg10[%dma_wait3A_71, %dma_wait3A_72] : memref<400x64xf32, #tpu.memory_space<vmem>> -> memref<200x64xf32, #tpu.memory_space<vmem>>
    %dma_wait3A_74 = arith.constant 0 : i32
    %dma_wait3A_75 = arith.constant 0 : i32
    %dma_wait3A_76 = tpu.memref_slice %arg4[%dma_wait3A_70, %dma_wait3A_74, %dma_wait3A_75] : memref<4096x200x128xf32, #tpu.memory_space<hbm>> -> memref<1x200x64xf32, #tpu.memory_space<hbm>>
    %dma_wait3A_77 = tpu.memref_squeeze %dma_wait3A_76 : memref<1x200x64xf32, #tpu.memory_space<hbm>> -> memref<200x64xf32, #tpu.memory_space<hbm>>
    %dma_wait3A_78 = arith.constant 0 : i32
    %dma_wait3A_79 = arith.constant 0 : i32
    %dma_wait3A_80 = tpu.memref_slice %arg4[%dma_wait3A_70, %dma_wait3A_78, %dma_wait3A_79] : memref<4096x200x128xf32, #tpu.memory_space<hbm>> -> memref<1x200x64xf32, #tpu.memory_space<hbm>>
    %dma_wait3A_81 = tpu.memref_squeeze %dma_wait3A_80 : memref<1x200x64xf32, #tpu.memory_space<hbm>> -> memref<200x64xf32, #tpu.memory_space<hbm>>
    %dma_wait3A_82 = arith.constant 0 : i32
    %dma_wait3A_83 = arith.constant 0 : i32
    %dma_wait3A_84 = tpu.memref_slice %arg10[%dma_wait3A_82, %dma_wait3A_83] : memref<400x64xf32, #tpu.memory_space<vmem>> -> memref<200x64xf32, #tpu.memory_space<vmem>>
    tpu.wait_dma2 semaphore(%arg16 : memref<!tpu.dma_semaphore, #tpu.memory_space<semaphore_mem>>) src(%dma_wait3A_84 : memref<200x64xf32, #tpu.memory_space<vmem>>) dst(%dma_wait3A_81 : memref<200x64xf32, #tpu.memory_space<hbm>>)
    return
  }
}

</mosaic_0001>

<sc_bundles>
// kernel: kernel.3.cloned.1.call-start
scs
__scs_entry_jumppad:
0x0: {  	(pc) =	sbr.rel $0x88, $3  }
0x1: {  	(tag) =	ssettag $0x0;
	lr =	simm.s32 $0x1  }
0x2: {  	[smem:$0x3F9F] =	sst lr;
	_ =	strace $0xD0000000  }
0x3: {  	_ = 	snop  }
0x4: {  	_ = 	snop  }
0x5: {  	_ = 	snop  }
0x6: {  	_ = 	snop  }
0x7: {  	_ = 	snop  }
__scs_overlays_trampoline_lowered:
0x8: {  	[smem:$0x3FAE] =	sst s0  }
0x9: {  	[smem:$0x3FAF] =	sst s1  }
0xa: {  	[smem:$0x3FB0] =	sst s2  }
0xb: {  	[smem:$0x3FB1] =	sst s3  }
0xc: {  	[smem:$0x3FB2] =	sst s4  }
0xd: {  	[smem:$0x3FB3] =	sst s5  }
0xe: {  	[smem:$0x3FB4] =	sst s6  }
0xf: {  	[smem:$0x3FB5] =	sst s7  }
0x10: {  	[smem:$0x3FB6] =	sst s8  }
0x11: {  	[smem:$0x3FB7] =	sst s9;
	s0 =	simm.s32 @!p0 $0x0  }
0x12: {  	s1 =	sld [smem:$0x3F9D];
	s0 =	simm.s32 @p0 $0x1  }
0x13: {  	[smem:$0x3FB8] =	sst s0;
	s0 =	simm.s32 @!p1 $0x0  }
0x14: {  	s2 =	sld [smem:$0x3F9C];
	s0 =	simm.s32 @p1 $0x1  }
0x15: {  	[smem:$0x3FB9] =	sst s0;
	s0 =	simm.s32 @!p2 $0x0  }
0x16: {  	s3 =	sld [smem:$0x3FDB];
	s0 =	simm.s32 @p2 $0x1  }
0x17: {  	s4 =	simm.s32 $0x1BF5;
	[smem:$0x3FBB] =	sst s0  }
0x18: {  	s0 =	sld [smem:$0x3F9E];
	_ =	swait.ge [sflag:s4], $0x0  }
0x19: {  	s7 =	sld [smem:$0x3F9F]  }
0x1a: {  	s8 =	sadd.s32 $0xFFFFE003, lr  }
0x1b: {  	s9 =	sadd.s32 $0xFFFFFEF7, lr;
	s5 =	simm.s32 $0xFFFFFFFF;
	p2 =	slt.u32 s8, $0xFFFFF086  }
0x1c: {  	p1 =	slt.u32 s9, $0xF7A;
	s5 =	simm.s32 @!p2 $0x0  }
0x1d: {  	s5 =	simm.s32 @p1 $0x1;
	p0 =	seq.s32 s7, s2  }
0x1e: {  	s7 =	smul.u32 @!p0 $0xF7A, s2;
	p2 =	seq.s32 @!p0 s5, $0x0  }
0x1f: {  	s9 =	smul.u32 $0xF7A, s1;
	s8 =	simm.s32 @!p0 $0x1BF5;
	p2 =	por !p2, p0  }
0x20: {  	[sflag:s8] =	ssyncset.s32 @!p0 $0xFFFFF086;
	s6 =	sadd.s32 @!p0 s3, s7;
	s7 =	simm.s32 @!p0 $0x108  }
0x21: {  	s3 =	sadd.s32 s3, s9;
	s6 =	sadd.s32 @!p0 $0x88, s6;
	s7 =	simm.s32 @p2 $0x1082  }
0x22: {  	[simem:s7], [sflag:s8] =	dma.local @!p0 [hbm:s6], $0xF7A  }
0x23: {  	s9 =	sor.u32 $0xD0000000, s2;
	s6 =	simm.s32 $0x108;
	_ =	swait.ge @!p0 [sflag:s8], $0x0  }
0x24: {  	s3 =	sadd.s32 $0x88, s3;
	s6 =	simm.s32 @!p1 $0x1082;
	[sflag:s4] =	ssyncset.s32 $0xFFFFF086  }
0x25: {  	[simem:s6], [sflag:s4] =	dma.local [hbm:s3], $0xF7A  }
0x26: {  	[smem:$0x3F9F] =	sst s1;
	(tag) =	ssettag s2;
	_ =	strace s9  }
0x27: {  	s1 =	sld [smem:$0x3FAF]  }
0x28: {  	s2 =	sld [smem:$0x3FB0]  }
0x29: {  	s4 =	sld [smem:$0x3FB2]  }
0x2a: {  	p0 =	seq.s32 s5, $0x0;
	s5 =	sld [smem:$0x3FB3]  }
0x2b: {  	s6 =	sld [smem:$0x3FB4]  }
0x2c: {  	s7 =	sld [smem:$0x3FB5]  }
0x2d: {  	s3 =	simm.s32 $0x108;
	s8 =	sld [smem:$0x3FB6]  }
0x2e: {  	s3 =	simm.s32 @!p0 $0x1082;
	s9 =	sld [smem:$0x3FB7]  }
0x2f: {  	lr =	sadd.s32 s0, s3;
	s0 =	sld [smem:$0x3FAE]  }
0x30: {  	s3 =	sld [smem:$0x3FB1]  }
0x31: {  	[smem:$0x3FBA] =	sst s10  }
0x32: {  	s10 =	sld [smem:$0x3FB8];
	_ =	sdelay $0x3  }
0x33: {  	p0 =	seq.s32 s10, $0x1;
	s10 =	sld [smem:$0x3FBA];
	_ =	sdelay $0x3  }
0x34: {  	[smem:$0x3FBA] =	sst s10  }
0x35: {  	s10 =	sld [smem:$0x3FB9];
	_ =	sdelay $0x3  }
0x36: {  	p1 =	seq.s32 s10, $0x1;
	s10 =	sld [smem:$0x3FBA];
	_ =	sdelay $0x3  }
0x37: {  	[smem:$0x3FBA] =	sst s10  }
0x38: {  	s10 =	sld [smem:$0x3FBB]  }
0x39: {  	_ = 	snop;
	(pc) =	sbr.ind lr, $3  }
0x3a: {  	_ = 	snop  }
0x3b: {  	_ = 	snop  }
0x3c: {  	p2 =	seq.s32 s10, $0x1;
	s10 =	sld [smem:$0x3FBA]  }
0x3d: {  	_ =	shalt  }
0x3e: {  	_ =	shalt  }
0x3f: {  	_ =	shalt  }
0x40: {  	_ =	shalt  }
0x41: {  	_ =	shalt  }
0x42: {  	_ =	shalt  }
0x43: {  	_ =	shalt  }
0x44: {  	_ =	shalt  }
0x45: {  	_ =	shalt  }
0x46: {  	_ =	shalt  }
0x47: {  	_ =	shalt  }
0x48: {  	_ =	shalt  }
0x49: {  	_ =	shalt  }
0x4a: {  	_ =	shalt  }
0x4b: {  	_ =	shalt  }
0x4c: {  	_ =	shalt  }
0x4d: {  	_ =	shalt  }
0x4e: {  	_ =	shalt  }
0x4f: {  	_ =	shalt  }
0x50: {  	_ =	shalt  }
0x51: {  	_ =	shalt  }
0x52: {  	_ =	shalt  }
0x53: {  	_ =	shalt  }
0x54: {  	_ =	shalt  }
0x55: {  	_ =	shalt  }
0x56: {  	_ =	shalt  }
0x57: {  	_ =	shalt  }
0x58: {  	_ =	shalt  }
0x59: {  	_ =	shalt  }
0x5a: {  	_ =	shalt  }
0x5b: {  	_ =	shalt  }
0x5c: {  	_ =	shalt  }
0x5d: {  	_ =	shalt  }
0x5e: {  	_ =	shalt  }
0x5f: {  	_ =	shalt  }
0x60: {  	_ =	shalt  }
0x61: {  	_ =	shalt  }
0x62: {  	_ =	shalt  }
0x63: {  	_ =	shalt  }
0x64: {  	_ =	shalt  }
0x65: {  	_ =	shalt  }
0x66: {  	_ =	shalt  }
0x67: {  	_ =	shalt  }
0x68: {  	_ =	shalt  }
0x69: {  	_ =	shalt  }
0x6a: {  	_ =	shalt  }
0x6b: {  	_ =	shalt  }
0x6c: {  	_ =	shalt  }
0x6d: {  	_ =	shalt  }
0x6e: {  	_ =	shalt  }
0x6f: {  	_ =	shalt  }
0x70: {  	_ =	shalt  }
0x71: {  	_ =	shalt  }
0x72: {  	_ =	shalt  }
0x73: {  	_ =	shalt  }
0x74: {  	_ =	shalt  }
0x75: {  	_ =	shalt  }
0x76: {  	_ =	shalt  }
0x77: {  	_ =	shalt  }
0x78: {  	_ =	shalt  }
0x79: {  	_ =	shalt  }
0x7a: {  	_ =	shalt  }
0x7b: {  	_ =	shalt  }
0x7c: {  	_ =	shalt  }
0x7d: {  	_ =	shalt  }
0x7e: {  	_ =	shalt  }
0x7f: {  	_ =	shalt  }
0x80: {  	_ =	shalt  }
0x81: {  	_ =	shalt  }
0x82: {  	_ =	shalt  }
0x83: {  	_ =	shalt  }
0x84: {  	_ =	shalt  }
0x85: {  	_ =	shalt  }
0x86: {  	_ =	shalt  }
0x87: {  	_ =	shalt  }
.Lfunc_end0:
.L_simem_size_0:
called_computation.2_lowered:
.L_overlay_start_0:
0x88: {  	s2 =	sld [smem:$0x3FD9]  }
0x89: {  	s3 =	sld [smem:$0x3FFE];
	_ =	sdelay $0x1  }
0x8a: {  	s1 =	srdreg.scid  }
0x8b: {  	s0 =	sand.u32 $0x1, s1  }
0x8c: {  	s17 =	sshll.u32 s0, $0xA;
	s2 =	sadd.s32 s3, s2  }
0x8d: {  	s2 =	sadd.s32 s2, s17  }
0x8e: {  	[smem:$0x3FC6] =	sst s2  }
0x8f: {  	_ = 	snop  }
0x90: {  	s2 =	sld [smem:$0x3FD0];
	(tm) =	ssettm $0x1  }
0x91: {  	s18 =	sld [smem:$0x3FFB];
	_ =	sdelay $0x3  }
0x92: {  	_ =	strace s18  }
0x93: {  	s3 =	sld [smem:$0x3FFC];
	_ =	sdelay $0x3  }
0x94: {  	_ =	strace s3  }
0x95: {  	s3 =	sld [smem:$0x3FFD];
	_ =	sdelay $0x3  }
0x96: {  	_ =	strace s3  }
0x97: {  	_ =	strace $0x8FFFFFFF  }
0x98: {  	s19 =	sld [smem:$0x3FDB];
	_ =	sdelay $0x1  }
0x99: {  	s4 =	simm.s32 $_scs_section_size  }
0x9a: {  	s5 =	simm.s32 $_size__tile_overlayer_lowered;
	s6 =	simm.s32 $_tile_overlayer_lowered  }
0x9b: {  	s22 =	simm.s32 $0x1BFF;
	s21 =	sshll.u32 s6, $0x1;
	s3 =	sadd.s32 s4, s19  }
0x9c: {  	s7 =	simm.s32 $0x0;
	s20 =	sshll.u32 s5, $0x1;
	s5 =	sadd.s32 s21, s3  }
0x9d: {  	[timem:s7], [sflag:s22] =	dma.local [hbm:s5], s20  }
0x9e: {  	_ =	swait.ge [sflag:s22], s20  }
0x9f: {  	s4 =	ssub.s32 $0x0, s20;
	[sflag:s22] =	ssyncset.done $0x0  }
0xa0: {  	[sflag:s22] =	ssyncadd.s32 s4;
	_ =	sdelay $0x1  }
0xa1: {  	s23 =	simm.s32 $0x1B8B  }
0xa2: {  	_ =	swait.ge [sflag:s23], $0x1  }
0xa3: {  	[sflag:s23] =	ssyncset.done $0x0  }
0xa4: {  	s25 =	simm.s32 $0x1B8E;
	s24 =	sld [smem:$0x3FFE];
	[sflag:s23] =	ssyncadd.s32 $0xFFFFFFFF  }
0xa5: {  	s26 =	simm.s32 $execute0_lowered;
	[smem:$0x3FD2] =	sst s25  }
0xa6: {  	s5 =	sshll.u32 s26, $0x1;
	_ =	strace $0x80000049;
	[dreg:$0x1] =	wrdreg $0xFFFFFFFF  }
0xa7: {  	s28 =	simm.s32 $_size_execute0_lowered;
	s3 =	sadd.s32 s3, s5;
	[dreg:$0x0] =	wrdreg $0x0  }
0xa8: {  	s5 =	sshll.u32 s28, $0x1;
	[dreg:$0x2] =	wrdreg s3  }
0xa9: {  	[dreg:$0x3] =	wrdreg s5  }
0xaa: {  	[dreg:$0x4] =	wrdreg $0xC0  }
0xab: {  	_ =	task [dreg:s7], $0x5FFFF  }
0xac: {  	[dreg:$0x1] =	wrdreg $0xFFFFFFFF  }
0xad: {  	[dreg:$0x0] =	wrdreg $0x60  }
0xae: {  	[dreg:$0x2] =	wrdreg s2  }
0xaf: {  	[dreg:$0x3] =	wrdreg s24  }
0xb0: {  	[dreg:$0x4] =	wrdreg $0x9  }
0xb1: {  	_ =	task.clear_ibuf [dreg:s7], $0x5FFFF;
	_ =	strace $0x90000049  }
0xb2: {  	s29 =	simm.s32 $0x9;
	_ =	strace $0x8000004B  }
0xb3: {  	_ =	swait.ge [sflag:s29], $0x1  }
0xb4: {  	[sflag:s29] =	ssyncadd.s32 $0xFFFFFFFF  }
0xb5: {  	_ =	strace $0x9000004B  }
0xb6: {  	_ =	sfence  }
0xb7: {  	s30 =	sld [smem:$0x0];
	_ =	sdelay $0x2  }
0xb8: {  	s31 =	sshll.u32 s1, $0xD;
	s1 =	sshrl.u32 s1, $0x2  }
0xb9: {  	s3 =	sand.u32 $0x4000, s31;
	s1 =	sadd.s32 s1, s30  }
0xba: {  	s0 =	sor.u32 s3, s0;
	s1 =	sshll.u32 s1, $0x11  }
0xbb: {  	s0 =	sor.u32 s1, s0  }
0xbc: {  	s0 =	sadd.s32 $0x8F2B, s0  }
0xbd: {  	[sflag:s0] =	ssyncadd.remote.s32 $0x1  }
0xbe: {  	_ =	sfence.sel $0xFFFF  }
0xbf: {  	[dreg:$0x0] =	wrdreg $0xFFFFFFFF;
	(pc) =	sbr.abs _section_cstart, $3  }
0xc0: {  	[dreg:$0x1] =	wrdreg $0xFFFFFFFF  }
0xc1: {  	_ =	task.clear_ibuf [dreg:s7], $0x2FFFF;
	_ =	strace $0x9FFFFFFF  }
0xc2: {  	(tm) =	ssettm $0x7FFFFFFF  }
0xc3: {  	_ =	shalt  }
tec
execute0_lowered:
.L_overlay_start_1:
0x0: {  	(tag) =	ssettag $0x1  }
0x1: {  	s2 =	rddreg [dreg:$0x0]  }
0x2: {  	s0 =	srdreg.scid;
	s3 =	stileid.u32  }
0x3: {  	s1 =	rddreg [dreg:$0x1];
	s12 =	simm.s32 $0x190;
	s13 =	simm.s32 $0x1  }
0x4: {  	s14 =	simm.s32 $0x320;
	s15 =	simm.s32 $0x640;
	s16 =	simm.s32 $0x2  }
0x5: {  	s17 =	simm.s32 $0x4B0;
	s18 =	simm.s32 $0x6A40;
	s19 =	simm.s32 $0x3  }
0x6: {  	s20 =	simm.s32 $0x40;
	s21 =	simm.s32 $0x80;
	s22 =	simm.s32 $0x3840  }
0x7: {  	s23 =	simm.s32 $0x4;
	s24 =	simm.s32 $0x9C40;
	s25 =	simm.s32 $0x5  }
0x8: {  	s26 =	simm.s32 $0x6;
	s0 =	sand.u32 $0x1, s0;
	s4 =	sshll.u32 s3, $0x1  }
0x9: {  	s28 =	simm.s32 $0x0;
	s3 =	simm.s32 $0x0;
	s9 =	sor.u32 s0, s4  }
0xa: {  	s5 =	sadd.s32 $0xE00, s1;
	[smem:$0x7FF] =	sst s3;
	s10 =	smul.u32 $0x6400, s9  }
0xb: {  	s0 =	ssub.s32 $0x2, s0;
	s4 =	sadd.s32 $0xF43200, s1;
	_ =	strace $0x8000004A  }
0xc: {  	s6 =	sshrl.u32 s0, $0x1;
	s9 =	sshll.u32 s9, $0x7;
	s7 =	sshrl.u32 s10, $0x3  }
0xd: {  	s0 =	ssub.s32 s0, s6;
	s8 =	sor.u32 $0x320, s10;
	s6 =	sadd.s32 s2, s7  }
0xe: {  	s10 =	sadd.s32 $0x4B0, s10;
	s11 =	smax.u32 s0, $0x1;
	s7 =	sadd.s32 $0x32, s6  }
.LBB2_1:
0xf: {  	[tilespmem:s3], [sflag:$0x1] =	stream.linear.gather [hbm4b:s6+s3], $0x190, $0x38;
	[tilespmem:$0xCE40] =	vst v63  }
0x10: {  	_ = 	snop  }
0x11: {  	[tilespmem:s12], [sflag:$0x2] =	stream.linear.gather [hbm4b:s7+s3], $0x190, $0x38;
	[tilespmem:$0xCE40] =	vst v63  }
0x12: {  	_ =	swait.ge [sflag:s13], $0x190  }
0x13: {  	[sflag:s13] =	ssyncset.done $0x0  }
0x14: {  	s0 =	simm.s32 $0x0;
	[sflag:s13] =	ssyncadd.s32 $0xFFFFFE70  }
0x15: {  	s1 =	simm.s32 $0x40;
	v0 =	vld [tilespmem:s0+$0x0]  }
.LBB2_2:
0x16: {  	p0 =	sne.s32 s1, $0x600  }
.Ltmp0:
0x17: {  	_ = 	snop;
	(pc) =	sbr.rel @p0 .LBB2_2-.Ltmp0, $3  }
0x18: {  	_ =	sdelay $0x1  }
0x19: {  	s29 =	sshra.s32 s1, $0x2;
	s1 =	sadd.s32 $0x40, s1;
	v1 =	vshll.u32 v0, $0x1  }
0x1a: {  	v0 =	vld [tilespmem:s29+$0x0];
	[tilespmem:s0+$0x320] =	vst v1;
	s0 =	smov.u32 s29  }
0x1b: {  	_ =	sdelay $0x3  }
0x1c: {  	v0 =	vshll.u32 v0, $0x1  }
0x1d: {  	s29 =	simm.s32 $0x0;
	[tilespmem:s0+$0x320] =	vst v0  }
0x1e: {  	[tilespmem:s15], [sflag:$0x3] =	stream.indirect.gather [hbm4b:s4+s12], $0x40, s14, s12, $0xb8;
	[tilespmem:$0xCE40] =	vst v63  }
.LBB2_4:
0x1f: {  	_ =	swait.ge [sflag:s16], $0x190  }
0x20: {  	p0 =	seq.s32 s29, $0x0;
	[sflag:s16] =	ssyncset.done $0x0  }
0x21: {  	s0 =	simm.s32 @!p0 $0x6;
	[sflag:s16] =	ssyncadd.s32 $0xFFFFFE70  }
0x22: {  	_ =	swait.ge @!p0 [sflag:s0], $0x3200  }
0x23: {  	[sflag:s0] =	ssyncset.done @!p0 $0x0  }
0x24: {  	[sflag:s0] =	ssyncadd.s32 @!p0 $0xFFFFCE00  }
0x25: {  	_ =	swait.ge @!p0 [sflag:s0], $0x3200  }
0x26: {  	[sflag:s0] =	ssyncset.done @!p0 $0x0  }
0x27: {  	[sflag:s0] =	ssyncadd.s32 @!p0 $0xFFFFCE00;
	s0 =	simm.s32 $0x0  }
0x28: {  	s30 =	sshll.u32 s29, $0x2;
	s1 =	simm.s32 $0x40;
	v0 =	vld [tilespmem:s0+$0x190]  }
.LBB2_5:
0x29: {  	p0 =	sne.s32 s1, $0x600  }
.Ltmp1:
0x2a: {  	_ = 	snop;
	(pc) =	sbr.rel @p0 .LBB2_5-.Ltmp1, $3  }
0x2b: {  	_ =	sdelay $0x1  }
0x2c: {  	s31 =	sshra.s32 s1, $0x2;
	s1 =	sadd.s32 $0x40, s1;
	v1 =	vshll.u32 v0, $0x1  }
0x2d: {  	v0 =	vld [tilespmem:s31+$0x190];
	[tilespmem:s0+$0x4B0] =	vst v1;
	s0 =	smov.u32 s31  }
0x2e: {  	_ =	sdelay $0x3  }
0x2f: {  	p0 =	seq.s32 s29, $0x1F;
	v0 =	vshll.u32 v0, $0x1  }
0x30: {  	[tilespmem:s0+$0x4B0] =	vst v0;
	s0 =	smul.u32 @!p0 $0x320, s29  }
0x31: {  	[tilespmem:s18], [sflag:$0x4] =	stream.indirect.gather [hbm4b:s4+s12], $0x40, s17, s12, $0xb8;
	[tilespmem:$0xCE40] =	vst v63  }
0x32: {  	_ =	swait.ge [sflag:s19], $0x6400;
	s0 =	sadd.s32 @!p0 s0, s8  }
0x33: {  	s31 =	simm.s32 $0x6C0;
	[sflag:s19] =	ssyncset.done $0x0;
	s0 =	sshrl.u32 @!p0 s0, $0x3  }
0x34: {  	s1 =	simm.s32 @!p0 $0x0;
	[sflag:s19] =	ssyncadd.s32 $0xFFFF9C00;
	s0 =	sadd.s32 @!p0 s2, s0  }
0x35: {  	[tilespmem:s1], [sflag:$0x1] =	stream.linear.gather @!p0 [hbm4b:s0+s1], $0x190, $0x38;
	[tilespmem:$0xCE40] =	vst v63  }
0x36: {  	v0 =	vld [tilespmem:s31+$0x70]  }
0x37: {  	v1 =	vld [tilespmem:s31+$0xFFFFFF90]  }
0x38: {  	v2 =	vld [tilespmem:s31+$0xFFFFFFA0]  }
0x39: {  	v3 =	vld [tilespmem:s31+$0xFFFFFFB0]  }
0x3a: {  	v4 =	vld [tilespmem:s31+$0xFFFFFFC0]  }
0x3b: {  	v5 =	vld [tilespmem:s31+$0xFFFFFFD0];
	v0 =	vmul.f32 $8.000000000e+00, v0  }
0x3c: {  	v6 =	vld [tilespmem:s31+$0xFFFFFFE0];
	v1 =	vmul.f32 $8.000000000e+00, v1  }
0x3d: {  	v7 =	vld [tilespmem:s31+$0xFFFFFFF0];
	v2 =	vmul.f32 $8.000000000e+00, v2;
	[tilespmem:s31+$0x70] =	vst v0  }
0x3e: {  	[tilespmem:s31+$0xFFFFFF90] =	vst v1;
	v0 =	vmul.f32 $8.000000000e+00, v3;
	v3 =	vld [tilespmem:s31+$0x0]  }
0x3f: {  	[tilespmem:s31+$0xFFFFFFA0] =	vst v2;
	v1 =	vmul.f32 $8.000000000e+00, v4;
	v4 =	vld [tilespmem:s31+$0x10]  }
0x40: {  	v8 =	vld [tilespmem:s31+$0x20];
	v2 =	vmul.f32 $8.000000000e+00, v5;
	[tilespmem:s31+$0xFFFFFFB0] =	vst v0  }
0x41: {  	v5 =	vmul.f32 $8.000000000e+00, v6;
	[tilespmem:s31+$0xFFFFFFC0] =	vst v1;
	v0 =	vld [tilespmem:s31+$0x30]  }
0x42: {  	v6 =	vmul.f32 $8.000000000e+00, v7;
	[tilespmem:s31+$0xFFFFFFD0] =	vst v2;
	v1 =	vld [tilespmem:s31+$0x40]  }
0x43: {  	[tilespmem:s31+$0xFFFFFFE0] =	vst v5;
	v2 =	vld [tilespmem:s31+$0x50];
	v7 =	vmul.f32 $8.000000000e+00, v3  }
0x44: {  	[tilespmem:s31+$0xFFFFFFF0] =	vst v6;
	v3 =	vld [tilespmem:s31+$0x60];
	v5 =	vmul.f32 $8.000000000e+00, v4  }
0x45: {  	s1 =	simm.s32 $0x0;
	s0 =	simm.s32 $0x7C0;
	v6 =	vmul.f32 $8.000000000e+00, v8;
	v4 =	vld [tilespmem:s31+$0xFFFFFF80];
	[tilespmem:s31+$0x0] =	vst v7  }
.LBB2_7:
0x46: {  	v7 =	vld [tilespmem:s0+$0x70];
	s1 =	sadd.s32 $0x4, s1;
	[tilespmem:s31+$0x10] =	vst v5;
	v0 =	vmul.f32 $8.000000000e+00, v0  }
0x47: {  	v5 =	vld [tilespmem:s0+$0xFFFFFF90];
	p0 =	slt.u32 s1, $0x18C;
	[tilespmem:s31+$0x20] =	vst v6;
	v1 =	vmul.f32 $8.000000000e+00, v1  }
0x48: {  	v6 =	vld [tilespmem:s0+$0xFFFFFFA0];
	[tilespmem:s31+$0x30] =	vst v0;
	v0 =	vmul.f32 $8.000000000e+00, v2  }
0x49: {  	v2 =	vld [tilespmem:s0+$0xFFFFFFB0];
	[tilespmem:s31+$0x40] =	vst v1;
	v1 =	vmul.f32 $8.000000000e+00, v3  }
0x4a: {  	v3 =	vld [tilespmem:s0+$0xFFFFFFC0];
	v4 =	vmul.f32 $8.000000000e+00, v4;
	[tilespmem:s31+$0x50] =	vst v0  }
0x4b: {  	v0 =	vld [tilespmem:s0+$0xFFFFFFD0];
	v7 =	vmul.f32 $8.000000000e+00, v7;
	[tilespmem:s31+$0x60] =	vst v1  }
0x4c: {  	v1 =	vmul.f32 $8.000000000e+00, v5;
	v5 =	vld [tilespmem:s0+$0xFFFFFFE0];
	[tilespmem:s31+$0xFFFFFF80] =	vst v4;
	s31 =	smov.u32 s0  }
0x4d: {  	v4 =	vmul.f32 $8.000000000e+00, v6;
	v6 =	vld [tilespmem:s0+$0xFFFFFFF0];
	[tilespmem:s0+$0x70] =	vst v7  }
0x4e: {  	[tilespmem:s0+$0xFFFFFF90] =	vst v1;
	v1 =	vmul.f32 $8.000000000e+00, v2;
	v2 =	vld [tilespmem:s0+$0x0]  }
0x4f: {  	[tilespmem:s0+$0xFFFFFFA0] =	vst v4;
	v3 =	vmul.f32 $8.000000000e+00, v3;
	v4 =	vld [tilespmem:s0+$0x10]  }
0x50: {  	[tilespmem:s0+$0xFFFFFFB0] =	vst v1;
	v1 =	vmul.f32 $8.000000000e+00, v0;
	v7 =	vld [tilespmem:s0+$0x20]  }
.Ltmp2:
0x51: {  	[tilespmem:s0+$0xFFFFFFC0] =	vst v3;
	v3 =	vmul.f32 $8.000000000e+00, v5;
	v0 =	vld [tilespmem:s0+$0x30];
	(pc) =	sbr.rel @p0 .LBB2_7-.Ltmp2, $4  }
0x52: {  	[tilespmem:s0+$0xFFFFFFD0] =	vst v1;
	v5 =	vmul.f32 $8.000000000e+00, v6;
	v1 =	vld [tilespmem:s0+$0x40]  }
0x53: {  	[tilespmem:s0+$0xFFFFFFE0] =	vst v3;
	v6 =	vmul.f32 $8.000000000e+00, v2;
	v2 =	vld [tilespmem:s0+$0x50]  }
0x54: {  	[tilespmem:s0+$0xFFFFFFF0] =	vst v5;
	v5 =	vmul.f32 $8.000000000e+00, v4;
	v3 =	vld [tilespmem:s0+$0x60]  }
0x55: {  	s0 =	sadd.s32 $0x100, s0;
	v4 =	vld [tilespmem:s31+$0xFFFFFF80];
	[tilespmem:s31+$0x0] =	vst v6;
	v6 =	vmul.f32 $8.000000000e+00, v7  }
0x56: {  	[tilespmem:s31+$0x10] =	vst v5;
	v0 =	vmul.f32 $8.000000000e+00, v0  }
0x57: {  	[tilespmem:s31+$0x20] =	vst v6;
	v1 =	vmul.f32 $8.000000000e+00, v1  }
0x58: {  	s30 =	sor.u32 s9, s30;
	[tilespmem:s31+$0x30] =	vst v0;
	v61 =	vmul.f32 $8.000000000e+00, v2  }
0x59: {  	s0 =	smul.u32 $0xC80, s30;
	[tilespmem:s31+$0x40] =	vst v1;
	v62 =	vmul.f32 $8.000000000e+00, v3  }
0x5a: {  	s1 =	smul.u32 $0x6400, s30;
	v63 =	vmul.f32 $8.000000000e+00, v4;
	[tilespmem:s31+$0x50] =	vst v61  }
0x5b: {  	p0 =	sne.s32 s29, $0x1F;
	[tilespmem:s31+$0x60] =	vst v62  }
.Ltmp3:
0x5c: {  	s0 =	sadd.s32 s5, s0;
	[tilespmem:s31+$0xFFFFFF80] =	vst v63;
	s31 =	sshrl.u32 s1, $0x3;
	(pc) =	sbr.rel @p0 .LBB2_10-.Ltmp3, $4  }
0x5d: {  	[hbm4b:s0+s20] =	stream.strided.scatter [tilespmem:s15], [sflag:$0x5], $0x3200, s21, s20, $0x38;
	[tilespmem:$0xCE40] =	vst v63  }
0x5e: {  	s0 =	sadd.s32 s5, s31  }
0x5f: {  	s0 =	sadd.s32 $0xC80, s0  }
0x60: {  	[hbm4b:s0+s20] =	stream.strided.scatter [tilespmem:s22], [sflag:$0x5], $0x3200, s21, s20, $0x38;
	[tilespmem:$0xCE40] =	vst v63  }
.Ltmp4:
0x61: {  	(pc) =	sbr.rel .LBB2_13-.Ltmp4, $4  }
0x62: {  	_ = 	snop  }
0x63: {  	_ =	swait.ge [sflag:s23], $0x6400  }
0x64: {  	[sflag:s23] =	ssyncset.done $0x0  }
0x65: {  	[sflag:s23] =	ssyncadd.s32 $0xFFFF9C00  }
.LBB2_10:
0x66: {  	_ =	swait.ge [sflag:s13], $0x190  }
0x67: {  	[sflag:s13] =	ssyncset.done $0x0  }
0x68: {  	[sflag:s13] =	ssyncadd.s32 $0xFFFFFE70  }
0x69: {  	_ =	swait.ge [sflag:s25], $0x3200  }
0x6a: {  	[sflag:s25] =	ssyncset.done $0x0  }
0x6b: {  	[sflag:s25] =	ssyncadd.s32 $0xFFFFCE00  }
0x6c: {  	_ =	swait.ge [sflag:s25], $0x3200  }
0x6d: {  	[sflag:s25] =	ssyncset.done $0x0  }
0x6e: {  	s0 =	simm.s32 $0x0;
	[sflag:s25] =	ssyncadd.s32 $0xFFFFCE00  }
0x6f: {  	s1 =	simm.s32 $0x40;
	v0 =	vld [tilespmem:s0+$0x0]  }
.LBB2_11:
0x70: {  	p0 =	sne.s32 s1, $0x600  }
.Ltmp5:
0x71: {  	_ = 	snop;
	(pc) =	sbr.rel @p0 .LBB2_11-.Ltmp5, $3  }
0x72: {  	_ =	sdelay $0x1  }
0x73: {  	s31 =	sshra.s32 s1, $0x2;
	s1 =	sadd.s32 $0x40, s1;
	v1 =	vshll.u32 v0, $0x1  }
0x74: {  	v0 =	vld [tilespmem:s31+$0x0];
	[tilespmem:s0+$0x320] =	vst v1;
	s0 =	smov.u32 s31  }
0x75: {  	_ =	sdelay $0x3  }
0x76: {  	v0 =	vshll.u32 v0, $0x1  }
0x77: {  	s31 =	smul.u32 $0x320, s29;
	[tilespmem:s0+$0x320] =	vst v0  }
0x78: {  	[tilespmem:s15], [sflag:$0x3] =	stream.indirect.gather [hbm4b:s4+s12], $0x40, s14, s12, $0xb8;
	[tilespmem:$0xCE40] =	vst v63  }
0x79: {  	s0 =	sadd.s32 s31, s10;
	_ =	swait.ge [sflag:s23], $0x6400  }
0x7a: {  	s0 =	sshrl.u32 s0, $0x3;
	[sflag:s23] =	ssyncset.done $0x0  }
0x7b: {  	s0 =	sadd.s32 s2, s0;
	[sflag:s23] =	ssyncadd.s32 $0xFFFF9C00  }
0x7c: {  	[tilespmem:s12], [sflag:$0x2] =	stream.linear.gather [hbm4b:s0+s3], $0x190, $0x38;
	[tilespmem:$0xCE40] =	vst v63  }
.LBB2_13:
0x7d: {  	s31 =	simm.s32 $0x6AC0  }
0x7e: {  	v0 =	vld [tilespmem:s31+$0x70]  }
0x7f: {  	v1 =	vld [tilespmem:s31+$0xFFFFFF90]  }
0x80: {  	v2 =	vld [tilespmem:s31+$0xFFFFFFA0]  }
0x81: {  	v3 =	vld [tilespmem:s31+$0xFFFFFFB0]  }
0x82: {  	v4 =	vld [tilespmem:s31+$0xFFFFFFC0]  }
0x83: {  	v5 =	vld [tilespmem:s31+$0xFFFFFFD0];
	v0 =	vmul.f32 $8.000000000e+00, v0  }
0x84: {  	v6 =	vld [tilespmem:s31+$0xFFFFFFE0];
	v1 =	vmul.f32 $8.000000000e+00, v1  }
0x85: {  	v7 =	vld [tilespmem:s31+$0xFFFFFFF0];
	v2 =	vmul.f32 $8.000000000e+00, v2;
	[tilespmem:s31+$0x70] =	vst v0  }
0x86: {  	[tilespmem:s31+$0xFFFFFF90] =	vst v1;
	v0 =	vmul.f32 $8.000000000e+00, v3;
	v3 =	vld [tilespmem:s31+$0x0]  }
0x87: {  	[tilespmem:s31+$0xFFFFFFA0] =	vst v2;
	v1 =	vmul.f32 $8.000000000e+00, v4;
	v4 =	vld [tilespmem:s31+$0x10]  }
0x88: {  	v8 =	vld [tilespmem:s31+$0x20];
	v2 =	vmul.f32 $8.000000000e+00, v5;
	[tilespmem:s31+$0xFFFFFFB0] =	vst v0  }
0x89: {  	v5 =	vmul.f32 $8.000000000e+00, v6;
	[tilespmem:s31+$0xFFFFFFC0] =	vst v1;
	v0 =	vld [tilespmem:s31+$0x30]  }
0x8a: {  	v6 =	vmul.f32 $8.000000000e+00, v7;
	[tilespmem:s31+$0xFFFFFFD0] =	vst v2;
	v1 =	vld [tilespmem:s31+$0x40]  }
0x8b: {  	[tilespmem:s31+$0xFFFFFFE0] =	vst v5;
	v2 =	vld [tilespmem:s31+$0x50];
	v7 =	vmul.f32 $8.000000000e+00, v3  }
0x8c: {  	[tilespmem:s31+$0xFFFFFFF0] =	vst v6;
	v3 =	vld [tilespmem:s31+$0x60];
	v5 =	vmul.f32 $8.000000000e+00, v4  }
0x8d: {  	s1 =	simm.s32 $0x0;
	s0 =	simm.s32 $0x6BC0;
	v6 =	vmul.f32 $8.000000000e+00, v8;
	v4 =	vld [tilespmem:s31+$0xFFFFFF80];
	[tilespmem:s31+$0x0] =	vst v7  }
.LBB2_14:
0x8e: {  	v7 =	vld [tilespmem:s0+$0x70];
	s1 =	sadd.s32 $0x4, s1;
	[tilespmem:s31+$0x10] =	vst v5;
	v0 =	vmul.f32 $8.000000000e+00, v0  }
0x8f: {  	v5 =	vld [tilespmem:s0+$0xFFFFFF90];
	p0 =	slt.u32 s1, $0x18C;
	[tilespmem:s31+$0x20] =	vst v6;
	v1 =	vmul.f32 $8.000000000e+00, v1  }
0x90: {  	v6 =	vld [tilespmem:s0+$0xFFFFFFA0];
	[tilespmem:s31+$0x30] =	vst v0;
	v0 =	vmul.f32 $8.000000000e+00, v2  }
0x91: {  	v2 =	vld [tilespmem:s0+$0xFFFFFFB0];
	[tilespmem:s31+$0x40] =	vst v1;
	v1 =	vmul.f32 $8.000000000e+00, v3  }
0x92: {  	v3 =	vld [tilespmem:s0+$0xFFFFFFC0];
	v4 =	vmul.f32 $8.000000000e+00, v4;
	[tilespmem:s31+$0x50] =	vst v0  }
0x93: {  	v0 =	vld [tilespmem:s0+$0xFFFFFFD0];
	v7 =	vmul.f32 $8.000000000e+00, v7;
	[tilespmem:s31+$0x60] =	vst v1  }
0x94: {  	v1 =	vmul.f32 $8.000000000e+00, v5;
	v5 =	vld [tilespmem:s0+$0xFFFFFFE0];
	[tilespmem:s31+$0xFFFFFF80] =	vst v4;
	s31 =	smov.u32 s0  }
0x95: {  	v4 =	vmul.f32 $8.000000000e+00, v6;
	v6 =	vld [tilespmem:s0+$0xFFFFFFF0];
	[tilespmem:s0+$0x70] =	vst v7  }
0x96: {  	[tilespmem:s0+$0xFFFFFF90] =	vst v1;
	v1 =	vmul.f32 $8.000000000e+00, v2;
	v2 =	vld [tilespmem:s0+$0x0]  }
0x97: {  	[tilespmem:s0+$0xFFFFFFA0] =	vst v4;
	v3 =	vmul.f32 $8.000000000e+00, v3;
	v4 =	vld [tilespmem:s0+$0x10]  }
0x98: {  	[tilespmem:s0+$0xFFFFFFB0] =	vst v1;
	v1 =	vmul.f32 $8.000000000e+00, v0;
	v7 =	vld [tilespmem:s0+$0x20]  }
.Ltmp6:
0x99: {  	[tilespmem:s0+$0xFFFFFFC0] =	vst v3;
	v3 =	vmul.f32 $8.000000000e+00, v5;
	v0 =	vld [tilespmem:s0+$0x30];
	(pc) =	sbr.rel @p0 .LBB2_14-.Ltmp6, $4  }
0x9a: {  	[tilespmem:s0+$0xFFFFFFD0] =	vst v1;
	v5 =	vmul.f32 $8.000000000e+00, v6;
	v1 =	vld [tilespmem:s0+$0x40]  }
0x9b: {  	[tilespmem:s0+$0xFFFFFFE0] =	vst v3;
	v6 =	vmul.f32 $8.000000000e+00, v2;
	v2 =	vld [tilespmem:s0+$0x50]  }
0x9c: {  	[tilespmem:s0+$0xFFFFFFF0] =	vst v5;
	v5 =	vmul.f32 $8.000000000e+00, v4;
	v3 =	vld [tilespmem:s0+$0x60]  }
0x9d: {  	s0 =	sadd.s32 $0x100, s0;
	v4 =	vld [tilespmem:s31+$0xFFFFFF80];
	[tilespmem:s31+$0x0] =	vst v6;
	v6 =	vmul.f32 $8.000000000e+00, v7  }
0x9e: {  	[tilespmem:s31+$0x10] =	vst v5;
	v0 =	vmul.f32 $8.000000000e+00, v0  }
0x9f: {  	s0 =	sor.u32 $0x2, s30;
	[tilespmem:s31+$0x20] =	vst v6;
	v1 =	vmul.f32 $8.000000000e+00, v1  }
0xa0: {  	s1 =	smul.u32 $0xC80, s0;
	[tilespmem:s31+$0x30] =	vst v0;
	v61 =	vmul.f32 $8.000000000e+00, v2  }
0xa1: {  	s29 =	sadd.s32 $0x1, s29;
	s0 =	smul.u32 $0x6400, s0;
	[tilespmem:s31+$0x40] =	vst v1;
	v62 =	vmul.f32 $8.000000000e+00, v3  }
0xa2: {  	p0 =	sne.s32 s29, $0x20;
	v63 =	vmul.f32 $8.000000000e+00, v4;
	[tilespmem:s31+$0x50] =	vst v61  }
.Ltmp7:
0xa3: {  	s0 =	sshrl.u32 s0, $0x3;
	[tilespmem:s31+$0x60] =	vst v62;
	(pc) =	sbr.rel @p0 .LBB2_4-.Ltmp7, $4  }
0xa4: {  	s1 =	sadd.s32 s5, s1;
	s0 =	sadd.s32 s5, s0;
	[tilespmem:s31+$0xFFFFFF80] =	vst v63  }
0xa5: {  	[hbm4b:s1+s20] =	stream.strided.scatter [tilespmem:s18], [sflag:$0x6], $0x3200, s21, s20, $0x38;
	[tilespmem:$0xCE40] =	vst v63  }
0xa6: {  	s0 =	sadd.s32 $0xC80, s0  }
0xa7: {  	[hbm4b:s0+s20] =	stream.strided.scatter [tilespmem:s24], [sflag:$0x6], $0x3200, s21, s20, $0x38;
	[tilespmem:$0xCE40] =	vst v63  }
0xa8: {  	_ =	swait.ge [sflag:s25], $0x3200  }
0xa9: {  	[sflag:s25] =	ssyncset.done $0x0  }
0xaa: {  	[sflag:s25] =	ssyncadd.s32 $0xFFFFCE00  }
0xab: {  	_ =	swait.ge [sflag:s25], $0x3200  }
0xac: {  	[sflag:s25] =	ssyncset.done $0x0  }
0xad: {  	s28 =	sadd.s32 $0x1, s28;
	[sflag:s25] =	ssyncadd.s32 $0xFFFFCE00  }
0xae: {  	p0 =	sne.s32 s28, s11;
	_ =	swait.ge [sflag:s26], $0x3200  }
.Ltmp8:
0xaf: {  	[sflag:s26] =	ssyncset.done $0x0;
	(pc) =	sbr.rel @p0 .LBB2_1-.Ltmp8, $4  }
0xb0: {  	[sflag:s26] =	ssyncadd.s32 $0xFFFFCE00  }
0xb1: {  	_ =	swait.ge [sflag:s26], $0x3200  }
0xb2: {  	[sflag:s26] =	ssyncset.done $0x0  }
0xb3: {  	[sflag:s26] =	ssyncadd.s32 $0xFFFFCE00  }
0xb4: {  	_ =	sfence.sel $0x180000  }
0xb5: {  	[bflag:$0x0] =	sbarrier.arrive $0xFFFF  }
0xb6: {  	_ =	strace $0x9000004A  }
0xb7: {  	s0 =	stileid.u32;
	[bflag:$0x2] =	sbarrier.arrive $0xFFFF  }
0xb8: {  	p0 =	sne.s32 s0, $0x0;
	s0 =	rddreg [dreg:$0x2]  }
0xb9: {  	s0 =	sadd.s32 @!p0 $0x100000, s0  }
0xba: {  	[sflag:s0] =	ssyncadd.tile.s32 @!p0 $0x1;
	_ =	shalt  }
.Lfunc_end2:
_tile_overlayer_lowered:
.L_overlay_start_2:
0xbb: {  	(tag) =	ssettag $0x2  }
0xbc: {  	s0 =	rddreg [dreg:$0x0];
	s2 =	stileid.u32  }
0xbd: {  	s1 =	rddreg [dreg:$0x1];
	p0 =	sne.s32 s2, $0x0  }
0xbe: {  	s3 =	rddreg [dreg:$0x2];
	[bflag:$0x3] =	sbarrier.arrive $0xFFFF;
	s2 =	simm.s32 @!p0 $0x1C07  }
0xbf: {  	[timem:s3], [sflag:s2] =	dma.local @!p0 [hbm:s0], s1  }
0xc0: {  	s0 =	simm.s32 @!p0 $0x7  }
0xc1: {  	_ =	swait.ge @!p0 [sflag:s0], s1  }
0xc2: {  	s1 =	ssub.s32 @!p0 $0x0, s1;
	[sflag:s0] =	ssyncset.done @!p0 $0x0  }
0xc3: {  	[sflag:s0] =	ssyncadd.s32 @!p0 s1  }
0xc4: {  	[bflag:$0x3] =	sbarrier.arrive $0xFFFF  }
0xc5: {  	_ =	shalt  }

// kernel: sparse-core-data-format-call.1.cloned.1.call-start
scs
called_computation.1_lowered:
.L_overlay_start_0:
0x0: {  	s2 =	sld [smem:$0x3FD9]  }
0x1: {  	s3 =	sld [smem:$0x3FFE];
	_ =	sdelay $0x1  }
0x2: {  	s1 =	srdreg.scid  }
0x3: {  	s0 =	sand.u32 $0x1, s1  }
0x4: {  	s18 =	sshll.u32 s0, $0xA;
	s2 =	sadd.s32 s3, s2  }
0x5: {  	s2 =	sadd.s32 s2, s18  }
0x6: {  	[smem:$0x3FC6] =	sst s2  }
0x7: {  	_ = 	snop  }
0x8: {  	s2 =	sld [smem:$0x3FC8];
	(tm) =	ssettm $0x1  }
0x9: {  	s19 =	sld [smem:$0x3FFB];
	_ =	sdelay $0x3  }
0xa: {  	_ =	strace s19  }
0xb: {  	s3 =	sld [smem:$0x3FFC];
	_ =	sdelay $0x3  }
0xc: {  	_ =	strace s3  }
0xd: {  	s3 =	sld [smem:$0x3FFD];
	_ =	sdelay $0x3  }
0xe: {  	_ =	strace s3  }
0xf: {  	_ =	strace $0x8FFFFFFF  }
0x10: {  	s20 =	sld [smem:$0x3FDB];
	_ =	sdelay $0x1  }
0x11: {  	s4 =	simm.s32 $_scs_section_size  }
0x12: {  	s5 =	simm.s32 $_size__tile_overlayer_lowered;
	s6 =	simm.s32 $_tile_overlayer_lowered  }
0x13: {  	s23 =	simm.s32 $0x1BFF;
	s22 =	sshll.u32 s6, $0x1;
	s3 =	sadd.s32 s4, s20  }
0x14: {  	s7 =	simm.s32 $0x0;
	s21 =	sshll.u32 s5, $0x1;
	s5 =	sadd.s32 s22, s3  }
0x15: {  	[timem:s7], [sflag:s23] =	dma.local [hbm:s5], s21  }
0x16: {  	_ =	swait.ge [sflag:s23], s21  }
0x17: {  	s4 =	ssub.s32 $0x0, s21;
	[sflag:s23] =	ssyncset.done $0x0  }
0x18: {  	[sflag:s23] =	ssyncadd.s32 s4;
	_ =	sdelay $0x1  }
0x19: {  	s24 =	simm.s32 $0x1B8B  }
0x1a: {  	_ =	swait.ge [sflag:s24], $0x1  }
0x1b: {  	[sflag:s24] =	ssyncset.done $0x0  }
0x1c: {  	s26 =	simm.s32 $0x1B8E;
	s25 =	sld [smem:$0x3FFE];
	[sflag:s24] =	ssyncadd.s32 $0xFFFFFFFF  }
0x1d: {  	s27 =	simm.s32 $execute0_lowered;
	[smem:$0x3FD2] =	sst s26  }
0x1e: {  	s5 =	sshll.u32 s27, $0x1;
	_ =	strace $0x80000046;
	[dreg:$0x1] =	wrdreg $0xFFFFFFFF  }
0x1f: {  	s28 =	simm.s32 $_size_execute0_lowered;
	s3 =	sadd.s32 s3, s5;
	[dreg:$0x0] =	wrdreg $0x0  }
0x20: {  	s5 =	sshll.u32 s28, $0x1;
	[dreg:$0x2] =	wrdreg s3  }
0x21: {  	[dreg:$0x3] =	wrdreg s5  }
0x22: {  	[dreg:$0x4] =	wrdreg $0xC0  }
0x23: {  	_ =	task [dreg:s7], $0x5FFFF  }
0x24: {  	[dreg:$0x1] =	wrdreg $0xFFFFFFFF  }
0x25: {  	[dreg:$0x0] =	wrdreg $0x60  }
0x26: {  	[dreg:$0x2] =	wrdreg s2  }
0x27: {  	[dreg:$0x3] =	wrdreg s25  }
0x28: {  	[dreg:$0x4] =	wrdreg $0x9  }
0x29: {  	_ =	task.clear_ibuf [dreg:s7], $0x5FFFF;
	_ =	strace $0x90000046  }
0x2a: {  	s29 =	simm.s32 $0x9;
	_ =	strace $0x80000048  }
0x2b: {  	_ =	swait.ge [sflag:s29], $0x1  }
0x2c: {  	[sflag:s29] =	ssyncadd.s32 $0xFFFFFFFF  }
0x2d: {  	_ =	strace $0x90000048  }
0x2e: {  	_ =	sfence  }
0x2f: {  	s30 =	sld [smem:$0x0];
	_ =	sdelay $0x2  }
0x30: {  	s31 =	sshll.u32 s1, $0xD;
	s1 =	sshrl.u32 s1, $0x2  }
0x31: {  	s3 =	sand.u32 $0x4000, s31;
	s1 =	sadd.s32 s1, s30  }
0x32: {  	s0 =	sor.u32 s3, s0;
	s1 =	sshll.u32 s1, $0x11  }
0x33: {  	s0 =	sor.u32 s1, s0  }
0x34: {  	s0 =	sadd.s32 $0x8F2B, s0  }
0x35: {  	[sflag:s0] =	ssyncadd.remote.s32 $0x1  }
0x36: {  	_ =	sfence.sel $0xFFFF  }
0x37: {  	[dreg:$0x0] =	wrdreg $0xFFFFFFFF;
	(pc) =	sbr.abs _section_cstart, $3  }
0x38: {  	[dreg:$0x1] =	wrdreg $0xFFFFFFFF  }
0x39: {  	_ =	task.clear_ibuf [dreg:s7], $0x2FFFF;
	_ =	strace $0x9FFFFFFF  }
0x3a: {  	(tm) =	ssettm $0x7FFFFFFF  }
0x3b: {  	_ =	shalt  }
tec
execute0_lowered:
.L_overlay_start_1:
0x0: {  	(tag) =	ssettag $0x1  }
0x1: {  	s0 =	srdreg.scid;
	s2 =	rddreg [dreg:$0x0]  }
0x2: {  	s5 =	rddreg [dreg:$0x1];
	s1 =	stileid.u32  }
0x3: {  	s4 =	simm.s32 $0x1;
	s6 =	simm.s32 $0x2;
	s15 =	simm.s32 $0x0  }
0x4: {  	p0 =	por $0x0, $0x0;
	s8 =	simm.s32 $0x80;
	s0 =	sshll.u32 s0, $0x4  }
0x5: {  	s14 =	simm.s32 $0x0;
	s9 =	simm.s32 $0x0;
	s3 =	sand.u32 $0x10, s0  }
.Ltmp0:
0x6: {  	s10 =	simm.s32 $0x0;
	s3 =	sor.u32 s1, s3;
	(pc) =	sbr.rel .LBB1_1-.Ltmp0, $4  }
0x7: {  	s0 =	rddreg [dreg:$0x2];
	_ =	strace $0x80000047;
	s3 =	sshll.u32 s3, $0x7  }
0x8: {  	s12 =	simm.s32 $0x0;
	[sflag:s4] =	ssyncpa.u1 $0x0;
	s7 =	ssub.s32 $0xF4200, s3  }
0x9: {  	s13 =	simm.s32 $0x0;
	[sflag:s6] =	ssyncpa.u1 $0x0;
	s6 =	sshrl.u32 s7, $0xC  }
0xa: {  	s5 =	sadd.s32 $0xE00, s5;
	s11 =	smov.u32 s3;
	s7 =	sadd.s32 $0x2, s6  }
.LBB1_5:
0xb: {  	p1 =	slt.u32 s13, $0x2  }
0xc: {  	s17 =	smov.u32 s15;
	p2 =	sgt.s32 @!p1 s15, $0xF41C0;
	s16 =	sshra.s32 @!p1 s15, $0x1F  }
0xd: {  	p3 =	sgt.s32 @!p1 s14, $0x40;
	s18 =	sshra.s32 @!p1 s14, $0x1F;
	p2 =	por !p2, p1  }
0xe: {  	s15 =	sand.u32 @!p1 s16, s15;
	p3 =	por !p3, p1;
	s16 =	smov.u32 s14  }
0xf: {  	s14 =	sand.u32 @!p1 s18, s14;
	s17 =	simm.s32 @p2 $0xF41C0;
	s16 =	simm.s32 @p3 $0x40  }
0x10: {  	s15 =	ssub.s32 @!p1 s17, s15;
	s14 =	ssub.s32 @!p1 s16, s14  }
0x11: {  	s18 =	smov.u32 s12;
	s16 =	sadd.s32 @!p1 $0xFFF0BE40, s15;
	s17 =	sadd.s32 @!p1 $0xFFFFFFC0, s14  }
0x12: {  	s15 =	ssub.s32 @!p1 $0xF4240, s15;
	p2 =	sgt.s32 @!p1 s16, $0x7F;
	p3 =	sgt.s32 @!p1 s17, $0x3F  }
0x13: {  	s14 =	ssub.s32 @!p1 $0x80, s14;
	p2 =	por !p2, p1;
	p3 =	por !p3, p1  }
0x14: {  	s16 =	sadd.s32 $0x1000, s11;
	s15 =	simm.s32 @!p2 $0x0;
	s14 =	simm.s32 @!p3 $0x0  }
0x15: {  	p2 =	sgt.s32 s16, $0xF423F;
	s14 =	smul.u32 @!p1 s14, s15;
	s15 =	sadd.s32 $0x40, s12  }
0x16: {  	s18 =	smov.u32 @p2 s15  }
0x17: {  	s16 =	smov.u32 @p2 s3;
	p2 =	sgt.s32 s18, $0x3F  }
0x18: {  	s18 =	simm.s32 @p2 $0x0;
	p2 =	sne.s32 s13, s7  }
.Ltmp1:
0x19: {  	p0 =	por !p0, !p0;
	s17 =	simm.s32 @!p1 $0x2;
	(pc) =	sbr.rel @!p2 .LBB1_6-.Ltmp1, $4  }
0x1a: {  	s15 =	smov.u32 s9;
	s9 =	smov.u32 s11;
	s14 =	sand.u32 @!p1 $0x3FFFFFFF, s14  }
0x1b: {  	s11 =	smov.u32 s16;
	_ =	swait.ge @!p1 [sflag:s17], s14;
	s19 =	ssub.s32 @!p1 $0x0, s14  }
0x1c: {  	s14 =	smov.u32 s10;
	s13 =	sadd.s32 $0x1, s13;
	[sflag:s17] =	ssyncset.done @!p1 $0x0  }
0x1d: {  	s10 =	smov.u32 s12;
	s12 =	smov.u32 s18;
	[sflag:s17] =	ssyncadd.s32 @!p1 s19  }
.LBB1_1:
0x1e: {  	p1 =	sgt.u32 s13, s6  }
0x1f: {  	s16 =	sshrl.u32 @!p1 s12, $0x3  }
0x20: {  	s17 =	sshll.u32 @!p1 s11, $0x3;
	s16 =	smul.u32 @!p1 $0x7A1400, s16  }
0x21: {  	s18 =	sshll.u32 @!p1 s12, $0x7;
	s17 =	sand.u32 @!p1 $0xFFFFFC00, s17  }
0x22: {  	s16 =	sadd.s32 @!p1 s16, s17;
	s17 =	sand.u32 @!p1 $0x380, s18  }
0x23: {  	s18 =	sand.u32 @!p1 $0x7F, s11;
	s16 =	sor.u32 @!p1 s17, s16  }
0x24: {  	s17 =	sor.u32 @!p1 s18, s16  }
0x25: {  	s18 =	smulhi.u32 @!p1 $0x218D6287, s17;
	_ =	sdelay $0x1  }
0x26: {  	s16 =	smulhi.u32 @!p1 $0x218D6287, s16;
	s18 =	sshrl.u32 @!p1 s18, $0x11  }
0x27: {  	s18 =	smul.u32 @!p1 $0xF4280, s18  }
0x28: {  	s19 =	sxor.u32 @!p1 $0xFFFFFFFF, s13;
	s16 =	sshrl.u32 @!p1 s16, $0x11  }
0x29: {  	s19 =	sshll.u32 @!p1 s19, $0xD;
	s16 =	sand.u32 @!p1 $0x3F, s16;
	s17 =	ssub.s32 @!p1 s17, s18  }
0x2a: {  	s16 =	smul.u32 @!p1 $0x1E850, s16;
	s18 =	sshrl.u32 @!p1 s17, $0x3;
	s17 =	sand.u32 @!p1 $0x7, s17  }
0x2b: {  	s19 =	sand.u32 @!p1 $0x2000, s19;
	s18 =	sadd.s32 @!p1 s2, s18;
	s17 =	sshll.u32 @!p1 s17, $0x12  }
0x2c: {  	s16 =	sadd.s32 @!p1 s16, s18;
	s17 =	sor.u32 @!p1 $0x400, s17;
	s18 =	simm.s32 @!p1 $0x7A1400  }
0x2d: {  	[tilespmem:s19], [sflag:$0x1] =	stream.strided.gather @!p1 [hbm4b:s16+s17], $0x2000, s18, s17, $0x38;
	[tilespmem:$0x8100] =	vst v63  }
0x2e: {  	p1 =	seq.s32 s13, $0x0  }
0x2f: {  	p2 =	sge.u32 @!p1 s13, s7  }
0x30: {  	p1 =	por p1, p2  }
.Ltmp2:
0x31: {  	_ = 	snop;
	(pc) =	sbr.rel @p1 .LBB1_5-.Ltmp2, $1  }
0x32: {  	_ =	sdelay $0x3  }
0x33: {  	s16 =	simm.s32 $0x1  }
0x34: {  	_ =	swait.ge [sflag:s4], $0x2000;
	s16 =	simm.s32 @!p0 $0x0  }
0x35: {  	[sflag:s4] =	ssyncset.done $0x0;
	s17 =	sshll.u32 s16, $0xD  }
0x36: {  	[sflag:s4] =	ssyncadd.s32 $0xFFFFE000;
	s17 =	sor.u32 $0x40, s17  }
0x37: {  	s16 =	smul.u32 $0x8200, s16;
	v0 =	vld [tilespmem:s17+$0x30]  }
0x38: {  	v1 =	vld [tilespmem:s17+$0xFFFFFFD0]  }
0x39: {  	s16 =	sshrl.u32 s16, $0x2;
	v5 =	vld [tilespmem:s17+$0xFFFFFFE0]  }
0x3a: {  	v6 =	vld [tilespmem:s17+$0xFFFFFFF0];
	s19 =	sor.u32 $0x4000, s16  }
0x3b: {  	s31 =	sand.u32 $0x1, s13;
	v4 =	vld [tilespmem:s17+$0x0];
	s18 =	sadd.s32 $0x0, s19  }
0x3c: {  	v3 =	vld [tilespmem:s17+$0x10];
	s16 =	smul.u32 $0x8200, s31;
	[tilespmem:s18+$0x1C70 ss:$0x41] =	vst.msk $0xffff, v0  }
0x3d: {  	v2 =	vld [tilespmem:s17+$0x20];
	[tilespmem:s18+$0x410 ss:$0x41] =	vst.msk $0xffff, v1  }
0x3e: {  	s16 =	sshrl.u32 s16, $0x2;
	v1 =	vld [tilespmem:s17+$0xFFFFFFC0];
	[tilespmem:s18+$0x820 ss:$0x41] =	vst.msk $0xffff, v5;
	s17 =	sadd.s32 $0x80, s17  }
0x3f: {  	s20 =	simm.s32 $0x4;
	s21 =	simm.s32 $0x8;
	s16 =	sor.u32 $0x4000, s16;
	[tilespmem:s18+$0xC30 ss:$0x41] =	vst.msk $0xffff, v6;
	v0 =	vld [tilespmem:s17+$0x30]  }
.LBB1_3:
0x40: {  	p1 =	sne.s32 s21, $0xFC;
	v5 =	vld [tilespmem:s17+$0xFFFFFFD0];
	[tilespmem:s18+$0x1040 ss:$0x41] =	vst.msk $0xffff, v4  }
0x41: {  	v6 =	vld [tilespmem:s17+$0xFFFFFFE0];
	[tilespmem:s18+$0x1450 ss:$0x41] =	vst.msk $0xffff, v3  }
0x42: {  	s22 =	sshra.s32 s20, $0x2;
	s20 =	smov.u32 s21;
	v7 =	vld [tilespmem:s17+$0xFFFFFFF0];
	[tilespmem:s18+$0x1860 ss:$0x41] =	vst.msk $0xffff, v2  }
.Ltmp3:
0x43: {  	v4 =	vld [tilespmem:s17+$0x0];
	[tilespmem:s18+$0x0 ss:$0x41] =	vst.msk $0xffff, v1;
	s18 =	sadd.s32 s22, s19;
	(pc) =	sbr.rel @p1 .LBB1_3-.Ltmp3, $4  }
0x44: {  	v3 =	vld [tilespmem:s17+$0x10];
	[tilespmem:s18+$0x1C70 ss:$0x41] =	vst.msk $0xffff, v0  }
0x45: {  	[tilespmem:s18+$0x410 ss:$0x41] =	vst.msk $0xffff, v5;
	v2 =	vld [tilespmem:s17+$0x20]  }
0x46: {  	v1 =	vld [tilespmem:s17+$0xFFFFFFC0];
	[tilespmem:s18+$0x820 ss:$0x41] =	vst.msk $0xffff, v6;
	s17 =	sadd.s32 $0x80, s17  }
0x47: {  	s21 =	sadd.s32 $0x4, s21;
	v0 =	vld [tilespmem:s17+$0x30];
	[tilespmem:s18+$0xC30 ss:$0x41] =	vst.msk $0xffff, v7  }
0x48: {  	s21 =	sshll.u32 s9, $0x7;
	s22 =	sshll.u32 s10, $0x3;
	s20 =	sshra.s32 s20, $0x2  }
0x49: {  	p1 =	sgt.s32 s9, $0xF41C0;
	s30 =	sshra.s32 s9, $0x1F;
	s25 =	sshra.s32 s10, $0x1F  }
0x4a: {  	v5 =	vld [tilespmem:s17+$0xFFFFFFD0];
	s28 =	sshrl.u32 s10, $0x3;
	s23 =	sand.u32 $0xFFFFFC00, s21;
	s22 =	sand.u32 $0xFFFFFC00, s22  }
0x4b: {  	[tilespmem:s18+$0x1040 ss:$0x41] =	vst.msk $0xffff, v4;
	v58 =	vld [tilespmem:s17+$0xFFFFFFE0];
	s21 =	sand.u32 $0x380, s21;
	s19 =	sadd.s32 s20, s19;
	s22 =	sadd.s32 s22, s23  }
0x4c: {  	v59 =	vld [tilespmem:s17+$0xFFFFFFF0];
	[tilespmem:s18+$0x1450 ss:$0x41] =	vst.msk $0xffff, v3;
	s29 =	sor.u32 s21, s22;
	s21 =	smov.u32 s9;
	s22 =	sand.u32 s30, s9  }
0x4d: {  	v60 =	vld [tilespmem:s17+$0x0];
	[tilespmem:s18+$0x1860 ss:$0x41] =	vst.msk $0xffff, v2;
	s30 =	sand.u32 $0x7, s10;
	s20 =	sshrl.u32 s29, $0x7;
	s21 =	simm.s32 @!p1 $0xF41C0  }
0x4e: {  	v61 =	vld [tilespmem:s17+$0x10];
	[tilespmem:s18+$0x0 ss:$0x41] =	vst.msk $0xffff, v1;
	p1 =	sgt.s32 s10, $0x40;
	s24 =	ssub.s32 s21, s22;
	s21 =	smov.u32 s10  }
0x4f: {  	v62 =	vld [tilespmem:s17+$0x20];
	[tilespmem:s19+$0x1C70 ss:$0x41] =	vst.msk $0xffff, v0;
	s31 =	smulhi.u32 $0x218DEF5, s20;
	s22 =	sand.u32 s25, s10;
	s21 =	simm.s32 @!p1 $0x40  }
0x50: {  	v63 =	vld [tilespmem:s17+$0xFFFFFFC0];
	[tilespmem:s19+$0x410 ss:$0x41] =	vst.msk $0xffff, v5;
	s26 =	sadd.s32 $0xFFF0BE40, s24;
	s17 =	ssub.s32 $0xF4240, s24;
	s21 =	ssub.s32 s21, s22  }
0x51: {  	[tilespmem:s19+$0x820 ss:$0x41] =	vst.msk $0xffff, v58;
	s23 =	sshrl.u32 s31, $0xD;
	p1 =	sgt.s32 s26, $0x7F;
	s27 =	sadd.s32 $0xFFFFFFC0, s21  }
0x52: {  	[tilespmem:s19+$0xC30 ss:$0x41] =	vst.msk $0xffff, v59;
	s23 =	smul.u32 $0xF4240, s23;
	s18 =	ssub.s32 $0x80, s21;
	p2 =	sgt.s32 s27, $0x3F  }
.Ltmp4:
0x53: {  	[tilespmem:s19+$0x1040 ss:$0x41] =	vst.msk $0xffff, v60;
	s17 =	simm.s32 @p1 $0x0;
	s18 =	simm.s32 @p2 $0x0;
	(pc) =	sbr.rel .LBB1_5-.Ltmp4, $4  }
0x54: {  	s29 =	sand.u32 $0xF, s28;
	[tilespmem:s19+$0x1450 ss:$0x41] =	vst.msk $0xffff, v61;
	s20 =	ssub.s32 s20, s23;
	s17 =	smul.u32 s18, s17  }
0x55: {  	[tilespmem:s19+$0x1860 ss:$0x41] =	vst.msk $0xffff, v62;
	s21 =	sshll.u32 s30, $0x12;
	s20 =	sshll.u32 s20, $0x4;
	s18 =	sadd.s32 s5, s29  }
0x56: {  	[tilespmem:s19+$0x0 ss:$0x41] =	vst.msk $0xffff, v63;
	s31 =	sor.u32 $0x40, s21;
	s18 =	sadd.s32 s20, s18;
	s17 =	sand.u32 $0x3FFFFFFF, s17  }
0x57: {  	[hbm4b:s18+s31] =	stream.strided.scatter [tilespmem:s16], [sflag:$0x2], s17, s8, s31, $0x18;
	[tilespmem:$0x8100] =	vst v63  }
.LBB1_6:
0x58: {  	_ =	sfence.sel $0x180000  }
0x59: {  	s2 =	simm.s32 $0x1;
	[bflag:$0x0] =	sbarrier.arrive $0xFFFF  }
0x5a: {  	s31 =	simm.s32 $0x2;
	[sflag:s2] =	ssyncpa.u1 $0x1  }
0x5b: {  	[sflag:s31] =	ssyncpa.u1 $0x1  }
0x5c: {  	p0 =	sne.s32 s1, $0x0;
	_ =	strace $0x90000047  }
0x5d: {  	s0 =	sadd.s32 @!p0 $0x100000, s0;
	[bflag:$0x2] =	sbarrier.arrive $0xFFFF  }
0x5e: {  	[sflag:s0] =	ssyncadd.tile.s32 @!p0 $0x1;
	_ =	shalt  }
.Lfunc_end1:
_tile_overlayer_lowered:
.L_overlay_start_2:
0x5f: {  	(tag) =	ssettag $0x2  }
0x60: {  	s0 =	rddreg [dreg:$0x0];
	s2 =	stileid.u32  }
0x61: {  	s1 =	rddreg [dreg:$0x1];
	p0 =	sne.s32 s2, $0x0  }
0x62: {  	s3 =	rddreg [dreg:$0x2];
	[bflag:$0x3] =	sbarrier.arrive $0xFFFF;
	s2 =	simm.s32 @!p0 $0x1C01  }
0x63: {  	[timem:s3], [sflag:s2] =	dma.local @!p0 [hbm:s0], s1  }
0x64: {  	s0 =	simm.s32 @!p0 $0x1  }
0x65: {  	_ =	swait.ge @!p0 [sflag:s0], s1  }
0x66: {  	s1 =	ssub.s32 @!p0 $0x0, s1;
	[sflag:s0] =	ssyncset.done @!p0 $0x0  }
0x67: {  	[sflag:s0] =	ssyncadd.s32 @!p0 s1  }
0x68: {  	[bflag:$0x3] =	sbarrier.arrive $0xFFFF  }
0x69: {  	_ =	shalt  }

// kernel: sparse-core-data-format-call.cloned.1.call-start
scs
called_computation_lowered:
.L_overlay_start_0:
0x0: {  	s2 =	sld [smem:$0x3FD9]  }
0x1: {  	s3 =	sld [smem:$0x3FFE];
	_ =	sdelay $0x1  }
0x2: {  	s1 =	srdreg.scid  }
0x3: {  	s0 =	sand.u32 $0x1, s1  }
0x4: {  	s18 =	sshll.u32 s0, $0xA;
	s2 =	sadd.s32 s3, s2  }
0x5: {  	s2 =	sadd.s32 s2, s18  }
0x6: {  	[smem:$0x3FC6] =	sst s2  }
0x7: {  	_ = 	snop  }
0x8: {  	s2 =	sld [smem:$0x3FD0];
	(tm) =	ssettm $0x1  }
0x9: {  	s19 =	sld [smem:$0x3FFB];
	_ =	sdelay $0x3  }
0xa: {  	_ =	strace s19  }
0xb: {  	s3 =	sld [smem:$0x3FFC];
	_ =	sdelay $0x3  }
0xc: {  	_ =	strace s3  }
0xd: {  	s3 =	sld [smem:$0x3FFD];
	_ =	sdelay $0x3  }
0xe: {  	_ =	strace s3  }
0xf: {  	_ =	strace $0x8FFFFFFF  }
0x10: {  	s20 =	sld [smem:$0x3FDB];
	_ =	sdelay $0x1  }
0x11: {  	s4 =	simm.s32 $_scs_section_size  }
0x12: {  	s5 =	simm.s32 $_size__tile_overlayer_lowered;
	s6 =	simm.s32 $_tile_overlayer_lowered  }
0x13: {  	s23 =	simm.s32 $0x1BFF;
	s22 =	sshll.u32 s6, $0x1;
	s3 =	sadd.s32 s4, s20  }
0x14: {  	s7 =	simm.s32 $0x0;
	s21 =	sshll.u32 s5, $0x1;
	s5 =	sadd.s32 s22, s3  }
0x15: {  	[timem:s7], [sflag:s23] =	dma.local [hbm:s5], s21  }
0x16: {  	_ =	swait.ge [sflag:s23], s21  }
0x17: {  	s4 =	ssub.s32 $0x0, s21;
	[sflag:s23] =	ssyncset.done $0x0  }
0x18: {  	[sflag:s23] =	ssyncadd.s32 s4;
	_ =	sdelay $0x1  }
0x19: {  	s24 =	simm.s32 $0x1B8B  }
0x1a: {  	_ =	swait.ge [sflag:s24], $0x1  }
0x1b: {  	[sflag:s24] =	ssyncset.done $0x0  }
0x1c: {  	s26 =	simm.s32 $0x1B8E;
	s25 =	sld [smem:$0x3FFE];
	[sflag:s24] =	ssyncadd.s32 $0xFFFFFFFF  }
0x1d: {  	s27 =	simm.s32 $execute0_lowered;
	[smem:$0x3FD2] =	sst s26  }
0x1e: {  	s5 =	sshll.u32 s27, $0x1;
	_ =	strace $0x8000004C;
	[dreg:$0x1] =	wrdreg $0xFFFFFFFF  }
0x1f: {  	s28 =	simm.s32 $_size_execute0_lowered;
	s3 =	sadd.s32 s3, s5;
	[dreg:$0x0] =	wrdreg $0x0  }
0x20: {  	s5 =	sshll.u32 s28, $0x1;
	[dreg:$0x2] =	wrdreg s3  }
0x21: {  	[dreg:$0x3] =	wrdreg s5  }
0x22: {  	[dreg:$0x4] =	wrdreg $0xC0  }
0x23: {  	_ =	task [dreg:s7], $0x5FFFF  }
0x24: {  	[dreg:$0x1] =	wrdreg $0xFFFFFFFF  }
0x25: {  	[dreg:$0x0] =	wrdreg $0x60  }
0x26: {  	[dreg:$0x2] =	wrdreg s25  }
0x27: {  	[dreg:$0x3] =	wrdreg s2  }
0x28: {  	[dreg:$0x4] =	wrdreg $0x9  }
0x29: {  	_ =	task.clear_ibuf [dreg:s7], $0x5FFFF;
	_ =	strace $0x9000004C  }
0x2a: {  	s29 =	simm.s32 $0x9;
	_ =	strace $0x8000004E  }
0x2b: {  	_ =	swait.ge [sflag:s29], $0x1  }
0x2c: {  	[sflag:s29] =	ssyncadd.s32 $0xFFFFFFFF  }
0x2d: {  	_ =	strace $0x9000004E  }
0x2e: {  	_ =	sfence  }
0x2f: {  	s30 =	sld [smem:$0x0];
	_ =	sdelay $0x2  }
0x30: {  	s31 =	sshll.u32 s1, $0xD;
	s1 =	sshrl.u32 s1, $0x2  }
0x31: {  	s3 =	sand.u32 $0x4000, s31;
	s1 =	sadd.s32 s1, s30  }
0x32: {  	s0 =	sor.u32 s3, s0;
	s1 =	sshll.u32 s1, $0x11  }
0x33: {  	s0 =	sor.u32 s1, s0  }
0x34: {  	s0 =	sadd.s32 $0x8F2B, s0  }
0x35: {  	[sflag:s0] =	ssyncadd.remote.s32 $0x1  }
0x36: {  	_ =	sfence.sel $0xFFFF  }
0x37: {  	[dreg:$0x0] =	wrdreg $0xFFFFFFFF;
	(pc) =	sbr.abs _section_cstart, $3  }
0x38: {  	[dreg:$0x1] =	wrdreg $0xFFFFFFFF  }
0x39: {  	_ =	task.clear_ibuf [dreg:s7], $0x2FFFF;
	_ =	strace $0x9FFFFFFF  }
0x3a: {  	(tm) =	ssettm $0x7FFFFFFF  }
0x3b: {  	_ =	shalt  }
tec
execute0_lowered:
.L_overlay_start_1:
0x0: {  	(tag) =	ssettag $0x1  }
0x1: {  	s0 =	srdreg.scid  }
0x2: {  	s1 =	sshll.u32 s0, $0x4  }
0x3: {  	s0 =	stileid.u32;
	s1 =	sand.u32 $0x10, s1  }
0x4: {  	s1 =	sor.u32 s0, s1  }
0x5: {  	s6 =	rddreg [dreg:$0x0];
	s4 =	simm.s32 $0x1;
	s2 =	sshll.u32 s1, $0x7  }
0x6: {  	s7 =	simm.s32 $0x2;
	s12 =	simm.s32 $0x0;
	s1 =	ssub.s32 $0x1000, s2  }
0x7: {  	s8 =	simm.s32 $0x8000;
	s13 =	simm.s32 $0x0;
	s3 =	sand.u32 $0xF80, s1  }
0x8: {  	s9 =	simm.s32 $0x0;
	s5 =	sshrl.u32 s1, $0xC;
	p0 =	sne.s32 s3, $0x0  }
.Ltmp0:
0x9: {  	s1 =	rddreg [dreg:$0x2];
	s4 =	simm.s32 @!p0 $0x0;
	(pc) =	sbr.rel .LBB1_1-.Ltmp0, $4  }
0xa: {  	s11 =	simm.s32 $0x0;
	s3 =	rddreg [dreg:$0x1];
	s5 =	sadd.s32 s4, s5  }
0xb: {  	_ =	strace $0x8000004D;
	s4 =	simm.s32 $0x1;
	s5 =	smul.u32 $0xC8, s5  }
0xc: {  	s6 =	sadd.s32 $0xE00, s6;
	s10 =	smov.u32 s2;
	[sflag:s4] =	ssyncpa.u1 $0x0  }
0xd: {  	p0 =	por $0x0, $0x0;
	[sflag:s7] =	ssyncpa.u1 $0x0;
	s7 =	sor.u32 $0x1, s5  }
.LBB1_4:
0xe: {  	s16 =	sshll.u32 s13, $0x3;
	s17 =	sand.u32 $0x78, s13  }
0xf: {  	s30 =	sand.u32 $0x7E00, s13;
	s12 =	sshll.u32 s12, $0xF;
	s16 =	sand.u32 $0xC00, s16  }
0x10: {  	[tilespmem:s15+$0x810 ss:$0x81] =	vst.msk $0xffff, v2;
	s31 =	sand.u32 $0x7, s13;
	s16 =	sor.u32 s17, s16;
	s17 =	sadd.s32 s3, s30  }
0x11: {  	[tilespmem:s15+$0x1020 ss:$0x81] =	vst.msk $0xffff, v0;
	s13 =	sshll.u32 s31, $0x12;
	s12 =	sadd.s32 s12, s17;
	s16 =	sshrl.u32 s16, $0x3  }
0x12: {  	[tilespmem:s15+$0x0 ss:$0x81] =	vst.msk $0xffff, v1;
	s13 =	sor.u32 $0x400, s13;
	s12 =	sadd.s32 s16, s12  }
0x13: {  	[hbm4b:s12+s13] =	stream.strided.scatter [tilespmem:s14], [sflag:$0x2], $0x2000, s8, s13, $0x20;
	[tilespmem:$0x8080] =	vst v63  }
.LBB1_5:
0x14: {  	s14 =	sadd.s32 $0x1, s9  }
0x15: {  	s12 =	sadd.s32 $0x1000, s10;
	s16 =	smov.u32 s10;
	p2 =	sgt.s32 s14, $0xC7  }
0x16: {  	s16 =	smov.u32 @p2 s12  }
0x17: {  	s14 =	simm.s32 @p2 $0x0;
	p2 =	sgt.s32 s16, $0xFFF  }
0x18: {  	s16 =	smov.u32 @p2 s2;
	p2 =	sne.s32 s11, s7  }
.Ltmp1:
0x19: {  	p1 =	slt.u32 s11, $0x2;
	(pc) =	sbr.rel @!p2 .LBB1_6-.Ltmp1, $4  }
0x1a: {  	s15 =	simm.s32 @!p1 $0x2  }
0x1b: {  	s13 =	smov.u32 s10;
	p0 =	por !p0, !p0;
	_ =	swait.ge @!p1 [sflag:s15], $0x2000  }
0x1c: {  	s12 =	smov.u32 s9;
	[sflag:s15] =	ssyncset.done @!p1 $0x0;
	s9 =	smov.u32 s14  }
0x1d: {  	s11 =	sadd.s32 $0x1, s11;
	[sflag:s15] =	ssyncadd.s32 @!p1 $0xFFFFE000;
	s10 =	smov.u32 s16  }
.LBB1_1:
0x1e: {  	p1 =	sge.u32 s11, s5  }
0x1f: {  	s14 =	sand.u32 @!p1 $0x1FFFFFF, s9  }
0x20: {  	s15 =	smulhi.u32 @!p1 $0x147AE15, s14;
	_ =	sdelay $0x1  }
0x21: {  	s15 =	smul.u32 @!p1 $0xC8, s15  }
0x22: {  	s16 =	sxor.u32 @!p1 $0xFFFFFFFF, s11;
	s17 =	smul.u32 @!p1 $0xC80, s10  }
0x23: {  	s31 =	sadd.s32 $0xFFFFFFFF, s11;
	s16 =	sshll.u32 @!p1 s16, $0xD;
	s14 =	ssub.s32 @!p1 s14, s15  }
0x24: {  	s15 =	sand.u32 @!p1 $0x2000, s16;
	s16 =	sadd.s32 @!p1 s6, s17;
	s14 =	sshll.u32 @!p1 s14, $0x4  }
0x25: {  	s17 =	simm.s32 @!p1 $0x6400;
	s14 =	sadd.s32 @!p1 s14, s16;
	s16 =	simm.s32 @!p1 $0x40  }
0x26: {  	[tilespmem:s15], [sflag:$0x1] =	stream.strided.gather @!p1 [hbm4b:s14+s16], $0x2000, s17, s16, $0x38;
	[tilespmem:$0x8080] =	vst v63  }
0x27: {  	p1 =	sge.u32 s31, s5  }
.Ltmp2:
0x28: {  	_ = 	snop;
	(pc) =	sbr.rel @p1 .LBB1_5-.Ltmp2, $1  }
0x29: {  	_ =	sdelay $0x3  }
0x2a: {  	s14 =	simm.s32 $0x1  }
0x2b: {  	_ =	swait.ge [sflag:s4], $0x2000;
	s14 =	simm.s32 @!p0 $0x0  }
0x2c: {  	[sflag:s4] =	ssyncset.done $0x0;
	s15 =	sshll.u32 s14, $0xD  }
0x2d: {  	[sflag:s4] =	ssyncadd.s32 $0xFFFFE000;
	s18 =	sor.u32 $0x20, s15  }
0x2e: {  	s14 =	smul.u32 $0x8100, s14;
	v3 =	vld [tilespmem:s18+$0x10]  }
0x2f: {  	s30 =	sand.u32 $0x1, s11;
	v2 =	vld [tilespmem:s18+$0xFFFFFFF0]  }
0x30: {  	s15 =	smul.u32 $0x8100, s30;
	s14 =	sshrl.u32 s14, $0x2;
	v0 =	vld [tilespmem:s18+$0x0]  }
0x31: {  	v1 =	vld [tilespmem:s18+$0xFFFFFFE0];
	s16 =	sor.u32 $0x4000, s14  }
0x32: {  	s31 =	sshrl.u32 s15, $0x2;
	s15 =	sadd.s32 $0x0, s16  }
0x33: {  	s17 =	simm.s32 $0x4;
	s18 =	sadd.s32 $0x40, s18;
	s14 =	sor.u32 $0x4000, s31;
	[tilespmem:s15+$0x1830 ss:$0x81] =	vst.msk $0xffff, v3  }
.LBB1_3:
0x34: {  	v3 =	vld [tilespmem:s18+$0x10];
	p1 =	sne.s32 s17, $0x1FC;
	[tilespmem:s15+$0x810 ss:$0x81] =	vst.msk $0xffff, v2;
	s19 =	smov.u32 s17;
	s17 =	sadd.s32 $0x4, s17  }
.Ltmp3:
0x35: {  	v2 =	vld [tilespmem:s18+$0xFFFFFFF0];
	[tilespmem:s15+$0x1020 ss:$0x81] =	vst.msk $0xffff, v0;
	(pc) =	sbr.rel @p1 .LBB1_3-.Ltmp3, $4  }
0x36: {  	v0 =	vld [tilespmem:s18+$0x0];
	[tilespmem:s15+$0x0 ss:$0x81] =	vst.msk $0xffff, v1  }
0x37: {  	s15 =	sshra.s32 s19, $0x2;
	v1 =	vld [tilespmem:s18+$0xFFFFFFE0]  }
0x38: {  	s15 =	sadd.s32 s15, s16  }
0x39: {  	s18 =	sadd.s32 $0x40, s18;
	[tilespmem:s15+$0x1830 ss:$0x81] =	vst.msk $0xffff, v3  }
.Ltmp4:
0x3a: {  	_ = 	snop;
	(pc) =	sbr.rel .LBB1_4-.Ltmp4, $1  }
0x3b: {  	_ =	sdelay $0x3  }
.LBB1_6:
0x3c: {  	_ =	sfence.sel $0x180000  }
0x3d: {  	s2 =	simm.s32 $0x1;
	[bflag:$0x0] =	sbarrier.arrive $0xFFFF  }
0x3e: {  	s31 =	simm.s32 $0x2;
	[sflag:s2] =	ssyncpa.u1 $0x1  }
0x3f: {  	[sflag:s31] =	ssyncpa.u1 $0x1  }
0x40: {  	p0 =	sne.s32 s0, $0x0;
	_ =	strace $0x9000004D  }
0x41: {  	s0 =	sadd.s32 @!p0 $0x100000, s1;
	[bflag:$0x2] =	sbarrier.arrive $0xFFFF  }
0x42: {  	[sflag:s0] =	ssyncadd.tile.s32 @!p0 $0x1;
	_ =	shalt  }
.Lfunc_end1:
_tile_overlayer_lowered:
.L_overlay_start_2:
0x43: {  	(tag) =	ssettag $0x2  }
0x44: {  	s0 =	rddreg [dreg:$0x0];
	s2 =	stileid.u32  }
0x45: {  	s1 =	rddreg [dreg:$0x1];
	p0 =	sne.s32 s2, $0x0  }
0x46: {  	s3 =	rddreg [dreg:$0x2];
	[bflag:$0x3] =	sbarrier.arrive $0xFFFF;
	s2 =	simm.s32 @!p0 $0x1C01  }
0x47: {  	[timem:s3], [sflag:s2] =	dma.local @!p0 [hbm:s0], s1  }
0x48: {  	s0 =	simm.s32 @!p0 $0x1  }
0x49: {  	_ =	swait.ge @!p0 [sflag:s0], s1  }
0x4a: {  	s1 =	ssub.s32 @!p0 $0x0, s1;
	[sflag:s0] =	ssyncset.done @!p0 $0x0  }
0x4b: {  	[sflag:s0] =	ssyncadd.s32 @!p0 s1  }
0x4c: {  	[bflag:$0x3] =	sbarrier.arrive $0xFFFF  }
0x4d: {  	_ =	shalt  }

</sc_bundles>
